<compile_context>
chip_gen: v7x
topology: tpu7x:2x2x1
jax: 0.10.2.dev20260603
libtpu: 0.0.44.dev20260713+nightly
codegen_flags: <defaults>
</compile_context>

<pallas_src>
import functools

import jax
import jax.numpy as jnp
from jax.experimental import pallas as pl
from jax.experimental.pallas import tpu as pltpu
from jax.experimental.pallas import tpu_sc as plsc

D = 384
K = 8192
BR = 512

_COMMIT = (0.05, 0.25, 0.6)


def _argmin_kernel(z_ref, cb_ref, zn_ref, cn_ref, idx_ref):
    z = z_ref[...]
    cb = cb_ref[...]
    dots2 = jax.lax.dot_general(z * -2.0, cb, (((1,), (1,)), ((), ())),
                                preferred_element_type=jnp.float32)
    d = (zn_ref[...] + dots2) + cn_ref[...]
    idx_ref[0, 0, :] = jnp.argmin(d, axis=1).astype(jnp.int32)


def _vq_argmin(zf, cb, zn, cn):
    n = zf.shape[0]
    nr = n // BR
    idx3 = pl.pallas_call(
        _argmin_kernel,
        grid=(nr,),
        in_specs=[
            pl.BlockSpec((BR, D), lambda i: (i, 0)),
            pl.BlockSpec((K, D), lambda i: (0, 0)),
            pl.BlockSpec((BR, 1), lambda i: (i, 0)),
            pl.BlockSpec((1, K), lambda i: (0, 0)),
        ],
        out_specs=pl.BlockSpec((1, 1, BR), lambda i: (i, 0, 0)),
        out_shape=jax.ShapeDtypeStruct((nr, 1, BR), jnp.int32),
    )(zf, cb, zn, cn)
    return idx3.reshape(n)


def _loss_kernel(nr, scale, z_ref, q_ref, loss_ref, loss_scr):
    i = pl.program_id(0)
    r = z_ref[...] - q_ref[...]
    s = jnp.sum(r * r)

    @pl.when(i == 0)
    def _():
        loss_scr[0, 0] = s

    @pl.when(i > 0)
    def _():
        loss_scr[0, 0] = loss_scr[0, 0] + s

    @pl.when(i == nr - 1)
    def _():
        loss_ref[...] = jnp.full((1, 1), loss_scr[0, 0] * scale,
                                 jnp.float32)


def _loss(zf, q, commit):
    n = zf.shape[0]
    nr = n // BR
    scale = commit / (n * D)
    out = pl.pallas_call(
        functools.partial(_loss_kernel, nr, scale),
        grid=(nr,),
        in_specs=[
            pl.BlockSpec((BR, D), lambda i: (i, 0)),
            pl.BlockSpec((BR, D), lambda i: (i, 0)),
        ],
        out_specs=pl.BlockSpec((1, 1), lambda i: (0, 0)),
        out_shape=jax.ShapeDtypeStruct((1, 1), jnp.float32),
        scratch_shapes=[pltpu.SMEM((1, 1), jnp.float32)],
    )(zf, q)
    return out[0, 0]


def _sc_gather(cb, idx):
    n = idx.shape[0]
    info = plsc.get_sparse_core_info()
    ncores = info.num_cores
    nw = ncores * info.num_subcores
    b_per_w = n // nw
    mesh = plsc.VectorSubcoreMesh(core_axis_name="c", subcore_axis_name="s")

    @functools.partial(
        pl.kernel, mesh=mesh,
        out_type=jax.ShapeDtypeStruct((n, D), cb.dtype),
        scratch_types=[
            pltpu.VMEM((b_per_w,), jnp.int32),
            pltpu.VMEM((b_per_w, D), jnp.float32),
            pltpu.SemaphoreType.DMA,
        ],
    )
    def k(cb_hbm, idx_hbm, out_hbm, idx_v, rows_v, sem):
        wid = jax.lax.axis_index("s") * ncores + jax.lax.axis_index("c")
        base = wid * b_per_w
        pltpu.sync_copy(idx_hbm.at[pl.ds(base, b_per_w)], idx_v)
        pltpu.async_copy(cb_hbm.at[idx_v], rows_v, sem).wait()
        pltpu.sync_copy(rows_v, out_hbm.at[pl.ds(base, b_per_w)])

    return k(cb, idx)


def kernel(l0, l1, l2, cb0, cb1, cb2):
    zs = (l0, l1, l2)
    cbs = (cb0, cb1, cb2)
    zfs, idxs = [], []
    for z, cb in zip(zs, cbs):
        b, t, _ = z.shape
        zf = z.reshape(b * t, D)
        zn = jnp.sum(zf * zf, axis=1, keepdims=True)
        cn = jnp.sum(cb * cb, axis=1)[None, :]
        zfs.append(zf)
        idxs.append(_vq_argmin(zf, cb, zn, cn))
    qs = [_sc_gather(cb, idx) for cb, idx in zip(cbs, idxs)]
    total_loss = sum(_loss(zf, q, commit)
                     for zf, q, commit in zip(zfs, qs, _COMMIT))
    return (idxs[0].reshape(l0.shape[:2]),
            idxs[1].reshape(l1.shape[:2]),
            idxs[2].reshape(l2.shape[:2]),
            total_loss,
            qs[0].reshape(l0.shape),
            qs[1].reshape(l1.shape),
            qs[2].reshape(l2.shape))

# --- scband reference (transcript-rebuilt; emitter-appended) ---
"""Pipeline reference for scband-spatial-hrvqtokenizer-91225105367464 (READ-ONLY COPY).

The authoritative reference and input builder live on the scoring server;
editing this copy changes nothing except your own understanding.
"""

import jax, jax.numpy as jnp
import numpy as np

D_MODEL = 384
NUM_CODES = 8192
COMMIT = (0.05, 0.25, 0.6)


def setup_inputs(seed: int = 0) -> dict:
    key = jax.random.key(seed)
    k0, k1, k2, kc0, kc1, kc2 = jax.random.split(key, 6)
    B = 512
    l0 = jax.random.normal(k0, (B, 4, D_MODEL), dtype=jnp.float32)
    l1 = jax.random.normal(k1, (B, 16, D_MODEL), dtype=jnp.float32)
    l2 = jax.random.normal(k2, (B, 16, D_MODEL), dtype=jnp.float32)
    cb0 = jax.random.normal(kc0, (NUM_CODES, D_MODEL), dtype=jnp.float32)
    cb1 = jax.random.normal(kc1, (NUM_CODES, D_MODEL), dtype=jnp.float32)
    cb2 = jax.random.normal(kc2, (NUM_CODES, D_MODEL), dtype=jnp.float32)
    return {"l0": l0, "l1": l1, "l2": l2, "cb0": cb0, "cb1": cb1, "cb2": cb2}


def _vq_level(z, cb, commitment_cost):
    B, T, D = z.shape
    zf = z.reshape(-1, D)
    # squared L2 distances: ||z||^2 - 2 z.cb^T + ||cb||^2
    dists = (jnp.sum(zf * zf, axis=1, keepdims=True)
             - 2.0 * zf @ cb.T
             + jnp.sum(cb * cb, axis=1)[None, :])
    idx = jnp.argmin(dists, axis=1)
    q = jnp.take(cb, idx, axis=0)
    # EMA-style VQ: commitment loss only; straight-through estimator
    loss = commitment_cost * jnp.mean((zf - jax.lax.stop_gradient(q)) ** 2)
    q_st = zf + jax.lax.stop_gradient(q - zf)
    return idx.reshape(B, T), loss, q_st.reshape(B, T, D)


def reference(l0, l1, l2, cb0, cb1, cb2):
    idx0, loss0, q0 = _vq_level(l0, cb0, COMMIT[0])
    idx1, loss1, q1 = _vq_level(l1, cb1, COMMIT[1])
    idx2, loss2, q2 = _vq_level(l2, cb2, COMMIT[2])
    total_vq_loss = loss0 + loss1 + loss2
    return (idx0, idx1, idx2, total_vq_loss, q0, q1, q2)

if __name__ == "__main__":
    import jax
    _d = setup_inputs()
    print(jax.jit(kernel)(*tuple(_d.values())))

</pallas_src>

<mosaic_0001>
#map = affine_map<(d0, d1) -> (0, 0)>
#map1 = affine_map<(d0, d1) -> (0)>
module attributes {stable_mosaic.version = 14 : i64} {
  func.func @k(%arg0: i32, %arg1: i32, %arg2: memref<8192x384xf32, #tpu.memory_space<hbm>>, %arg3: memref<8192xi32, #tpu.memory_space<hbm>>, %arg4: memref<8192x384xf32, #tpu.memory_space<hbm>>, %arg5: memref<256xi32, #tpu.memory_space<vmem>>, %arg6: memref<256x384xf32, #tpu.memory_space<vmem>>, %arg7: memref<!tpu.dma_semaphore, #tpu.memory_space<semaphore_mem>>) attributes {dimension_semantics = [#tpu.dimension_semantics<core_parallel>, #tpu.dimension_semantics<subcore_parallel>], iteration_bounds = array<i64: 2, 16>, scalar_prefetch = 0 : i64, scratch_operands = 3 : i64, tpu.core_type = #tpu.core_type<sc_vector_subcore>, window_params = [{transform_indices = #map}, {transform_indices = #map1}, {transform_indices = #map}]} {
    %mul3A = arith.constant 2 : i32
    %mul3A_0 = arith.muli %arg1, %mul3A : i32
    %add3A = arith.addi %mul3A_0, %arg0 : i32
    %mul3A_1 = arith.constant 256 : i32
    %mul3A_2 = arith.muli %add3A, %mul3A_1 : i32
    "tpu.region"() ({
      %run_scoped3A = tpu.sem_alloc : memref<!tpu.dma_semaphore, #tpu.memory_space<semaphore_mem>>
      %dma_start3A_7 = tpu.memref_slice %arg3[%mul3A_2] : memref<8192xi32, #tpu.memory_space<hbm>> -> memref<256xi32, #tpu.memory_space<hbm>>
      %dma_start3A_8 = tpu.memref_slice %arg3[%mul3A_2] : memref<8192xi32, #tpu.memory_space<hbm>> -> memref<256xi32, #tpu.memory_space<hbm>>
      tpu.enqueue_dma source(%dma_start3A_8 : memref<256xi32, #tpu.memory_space<hbm>>) target(%arg5 : memref<256xi32, #tpu.memory_space<vmem>>) target_semaphore(%run_scoped3A : memref<!tpu.dma_semaphore, #tpu.memory_space<semaphore_mem>>)
      %dma_wait3A_9 = tpu.memref_slice %arg3[%mul3A_2] : memref<8192xi32, #tpu.memory_space<hbm>> -> memref<256xi32, #tpu.memory_space<hbm>>
      %dma_wait3A_10 = tpu.memref_slice %arg3[%mul3A_2] : memref<8192xi32, #tpu.memory_space<hbm>> -> memref<256xi32, #tpu.memory_space<hbm>>
      tpu.wait_dma2 semaphore(%run_scoped3A : memref<!tpu.dma_semaphore, #tpu.memory_space<semaphore_mem>>) src(%dma_wait3A_10 : memref<256xi32, #tpu.memory_space<hbm>>) dst(%arg5 : memref<256xi32, #tpu.memory_space<vmem>>)
      tpu.yield
    }) : () -> ()
    %dma_start3A = arith.constant 0 : i32
    %dma_start3A_3 = arith.constant 0 : i32
    %dma_start3A_4 = tpu.memref_slice %arg2[%dma_start3A, %dma_start3A_3] : memref<8192x384xf32, #tpu.memory_space<hbm>> -> memref<8192x384xf32, #tpu.memory_space<hbm>>
    tpu.enqueue_indirect_dma source(%dma_start3A_4 : memref<8192x384xf32, #tpu.memory_space<hbm>>) target(%arg6 : memref<256x384xf32, #tpu.memory_space<vmem>>) offsets(%arg5 : memref<256xi32, #tpu.memory_space<vmem>>) semaphore(%arg7 : memref<!tpu.dma_semaphore, #tpu.memory_space<semaphore_mem>>)
    %dma_wait3A = arith.constant 0 : i32
    %dma_wait3A_5 = arith.constant 0 : i32
    %dma_wait3A_6 = tpu.memref_slice %arg2[%dma_wait3A, %dma_wait3A_5] : memref<8192x384xf32, #tpu.memory_space<hbm>> -> memref<8192x384xf32, #tpu.memory_space<hbm>>
    tpu.wait_indirect_dma semaphore(%arg7 : memref<!tpu.dma_semaphore, #tpu.memory_space<semaphore_mem>>) src(%dma_wait3A_6 : memref<8192x384xf32, #tpu.memory_space<hbm>>) dst(%arg6 : memref<256x384xf32, #tpu.memory_space<vmem>>)
    "tpu.region"() ({
      %run_scoped3A = tpu.sem_alloc : memref<!tpu.dma_semaphore, #tpu.memory_space<semaphore_mem>>
      %dma_start3A_7 = arith.constant 0 : i32
      %dma_start3A_8 = tpu.memref_slice %arg4[%mul3A_2, %dma_start3A_7] : memref<8192x384xf32, #tpu.memory_space<hbm>> -> memref<256x384xf32, #tpu.memory_space<hbm>>
      %dma_start3A_9 = arith.constant 0 : i32
      %dma_start3A_10 = tpu.memref_slice %arg4[%mul3A_2, %dma_start3A_9] : memref<8192x384xf32, #tpu.memory_space<hbm>> -> memref<256x384xf32, #tpu.memory_space<hbm>>
      tpu.enqueue_dma source(%arg6 : memref<256x384xf32, #tpu.memory_space<vmem>>) target(%dma_start3A_10 : memref<256x384xf32, #tpu.memory_space<hbm>>) target_semaphore(%run_scoped3A : memref<!tpu.dma_semaphore, #tpu.memory_space<semaphore_mem>>)
      %dma_wait3A_11 = arith.constant 0 : i32
      %dma_wait3A_12 = tpu.memref_slice %arg4[%mul3A_2, %dma_wait3A_11] : memref<8192x384xf32, #tpu.memory_space<hbm>> -> memref<256x384xf32, #tpu.memory_space<hbm>>
      %dma_wait3A_13 = arith.constant 0 : i32
      %dma_wait3A_14 = tpu.memref_slice %arg4[%mul3A_2, %dma_wait3A_13] : memref<8192x384xf32, #tpu.memory_space<hbm>> -> memref<256x384xf32, #tpu.memory_space<hbm>>
      tpu.wait_dma2 semaphore(%run_scoped3A : memref<!tpu.dma_semaphore, #tpu.memory_space<semaphore_mem>>) src(%arg6 : memref<256x384xf32, #tpu.memory_space<vmem>>) dst(%dma_wait3A_14 : memref<256x384xf32, #tpu.memory_space<hbm>>)
      tpu.yield
    }) : () -> ()
    return
  }
}

#map = affine_map<(d0, d1) -> (0, 0)>
#map1 = affine_map<(d0, d1) -> (0)>
module attributes {stable_mosaic.version = 14 : i64} {
  func.func @k(%arg0: i32, %arg1: i32, %arg2: memref<8192x384xf32, #tpu.memory_space<hbm>>, %arg3: memref<8192xi32, #tpu.memory_space<hbm>>, %arg4: memref<8192x384xf32, #tpu.memory_space<hbm>>, %arg5: memref<256xi32, #tpu.memory_space<vmem>>, %arg6: memref<256x384xf32, #tpu.memory_space<vmem>>, %arg7: memref<!tpu.dma_semaphore, #tpu.memory_space<semaphore_mem>>) attributes {dimension_semantics = [#tpu.dimension_semantics<core_parallel>, #tpu.dimension_semantics<subcore_parallel>], iteration_bounds = array<i64: 2, 16>, scalar_prefetch = 0 : i64, scratch_operands = 3 : i64, tpu.core_type = #tpu.core_type<sc_vector_subcore>, window_params = [{transform_indices = #map}, {transform_indices = #map1}, {transform_indices = #map}]} {
    %mul3A = arith.constant 2 : i32
    %mul3A_0 = arith.muli %arg1, %mul3A : i32
    %add3A = arith.addi %mul3A_0, %arg0 : i32
    %mul3A_1 = arith.constant 256 : i32
    %mul3A_2 = arith.muli %add3A, %mul3A_1 : i32
    "tpu.region"() ({
      %run_scoped3A = tpu.sem_alloc : memref<!tpu.dma_semaphore, #tpu.memory_space<semaphore_mem>>
      %dma_start3A_7 = tpu.memref_slice %arg3[%mul3A_2] : memref<8192xi32, #tpu.memory_space<hbm>> -> memref<256xi32, #tpu.memory_space<hbm>>
      %dma_start3A_8 = tpu.memref_slice %arg3[%mul3A_2] : memref<8192xi32, #tpu.memory_space<hbm>> -> memref<256xi32, #tpu.memory_space<hbm>>
      tpu.enqueue_dma source(%dma_start3A_8 : memref<256xi32, #tpu.memory_space<hbm>>) target(%arg5 : memref<256xi32, #tpu.memory_space<vmem>>) target_semaphore(%run_scoped3A : memref<!tpu.dma_semaphore, #tpu.memory_space<semaphore_mem>>)
      %dma_wait3A_9 = tpu.memref_slice %arg3[%mul3A_2] : memref<8192xi32, #tpu.memory_space<hbm>> -> memref<256xi32, #tpu.memory_space<hbm>>
      %dma_wait3A_10 = tpu.memref_slice %arg3[%mul3A_2] : memref<8192xi32, #tpu.memory_space<hbm>> -> memref<256xi32, #tpu.memory_space<hbm>>
      tpu.wait_dma2 semaphore(%run_scoped3A : memref<!tpu.dma_semaphore, #tpu.memory_space<semaphore_mem>>) src(%dma_wait3A_10 : memref<256xi32, #tpu.memory_space<hbm>>) dst(%arg5 : memref<256xi32, #tpu.memory_space<vmem>>)
      tpu.yield
    }) : () -> ()
    %dma_start3A = arith.constant 0 : i32
    %dma_start3A_3 = arith.constant 0 : i32
    %dma_start3A_4 = tpu.memref_slice %arg2[%dma_start3A, %dma_start3A_3] : memref<8192x384xf32, #tpu.memory_space<hbm>> -> memref<8192x384xf32, #tpu.memory_space<hbm>>
    tpu.enqueue_indirect_dma source(%dma_start3A_4 : memref<8192x384xf32, #tpu.memory_space<hbm>>) target(%arg6 : memref<256x384xf32, #tpu.memory_space<vmem>>) offsets(%arg5 : memref<256xi32, #tpu.memory_space<vmem>>) semaphore(%arg7 : memref<!tpu.dma_semaphore, #tpu.memory_space<semaphore_mem>>)
    %dma_wait3A = arith.constant 0 : i32
    %dma_wait3A_5 = arith.constant 0 : i32
    %dma_wait3A_6 = tpu.memref_slice %arg2[%dma_wait3A, %dma_wait3A_5] : memref<8192x384xf32, #tpu.memory_space<hbm>> -> memref<8192x384xf32, #tpu.memory_space<hbm>>
    tpu.wait_indirect_dma semaphore(%arg7 : memref<!tpu.dma_semaphore, #tpu.memory_space<semaphore_mem>>) src(%dma_wait3A_6 : memref<8192x384xf32, #tpu.memory_space<hbm>>) dst(%arg6 : memref<256x384xf32, #tpu.memory_space<vmem>>)
    "tpu.region"() ({
      %run_scoped3A = tpu.sem_alloc : memref<!tpu.dma_semaphore, #tpu.memory_space<semaphore_mem>>
      %dma_start3A_7 = arith.constant 0 : i32
      %dma_start3A_8 = tpu.memref_slice %arg4[%mul3A_2, %dma_start3A_7] : memref<8192x384xf32, #tpu.memory_space<hbm>> -> memref<256x384xf32, #tpu.memory_space<hbm>>
      %dma_start3A_9 = arith.constant 0 : i32
      %dma_start3A_10 = tpu.memref_slice %arg4[%mul3A_2, %dma_start3A_9] : memref<8192x384xf32, #tpu.memory_space<hbm>> -> memref<256x384xf32, #tpu.memory_space<hbm>>
      tpu.enqueue_dma source(%arg6 : memref<256x384xf32, #tpu.memory_space<vmem>>) target(%dma_start3A_10 : memref<256x384xf32, #tpu.memory_space<hbm>>) target_semaphore(%run_scoped3A : memref<!tpu.dma_semaphore, #tpu.memory_space<semaphore_mem>>)
      %dma_wait3A_11 = arith.constant 0 : i32
      %dma_wait3A_12 = tpu.memref_slice %arg4[%mul3A_2, %dma_wait3A_11] : memref<8192x384xf32, #tpu.memory_space<hbm>> -> memref<256x384xf32, #tpu.memory_space<hbm>>
      %dma_wait3A_13 = arith.constant 0 : i32
      %dma_wait3A_14 = tpu.memref_slice %arg4[%mul3A_2, %dma_wait3A_13] : memref<8192x384xf32, #tpu.memory_space<hbm>> -> memref<256x384xf32, #tpu.memory_space<hbm>>
      tpu.wait_dma2 semaphore(%run_scoped3A : memref<!tpu.dma_semaphore, #tpu.memory_space<semaphore_mem>>) src(%arg6 : memref<256x384xf32, #tpu.memory_space<vmem>>) dst(%dma_wait3A_14 : memref<256x384xf32, #tpu.memory_space<hbm>>)
      tpu.yield
    }) : () -> ()
    return
  }
}

#map = affine_map<(d0, d1) -> (0, 0)>
#map1 = affine_map<(d0, d1) -> (0)>
module attributes {stable_mosaic.version = 14 : i64} {
  func.func @k(%arg0: i32, %arg1: i32, %arg2: memref<8192x384xf32, #tpu.memory_space<hbm>>, %arg3: memref<2048xi32, #tpu.memory_space<hbm>>, %arg4: memref<2048x384xf32, #tpu.memory_space<hbm>>, %arg5: memref<64xi32, #tpu.memory_space<vmem>>, %arg6: memref<64x384xf32, #tpu.memory_space<vmem>>, %arg7: memref<!tpu.dma_semaphore, #tpu.memory_space<semaphore_mem>>) attributes {dimension_semantics = [#tpu.dimension_semantics<core_parallel>, #tpu.dimension_semantics<subcore_parallel>], iteration_bounds = array<i64: 2, 16>, scalar_prefetch = 0 : i64, scratch_operands = 3 : i64, tpu.core_type = #tpu.core_type<sc_vector_subcore>, window_params = [{transform_indices = #map}, {transform_indices = #map1}, {transform_indices = #map}]} {
    %mul3A = arith.constant 2 : i32
    %mul3A_0 = arith.muli %arg1, %mul3A : i32
    %add3A = arith.addi %mul3A_0, %arg0 : i32
    %mul3A_1 = arith.constant 64 : i32
    %mul3A_2 = arith.muli %add3A, %mul3A_1 : i32
    "tpu.region"() ({
      %run_scoped3A = tpu.sem_alloc : memref<!tpu.dma_semaphore, #tpu.memory_space<semaphore_mem>>
      %dma_start3A_7 = tpu.memref_slice %arg3[%mul3A_2] : memref<2048xi32, #tpu.memory_space<hbm>> -> memref<64xi32, #tpu.memory_space<hbm>>
      %dma_start3A_8 = tpu.memref_slice %arg3[%mul3A_2] : memref<2048xi32, #tpu.memory_space<hbm>> -> memref<64xi32, #tpu.memory_space<hbm>>
      tpu.enqueue_dma source(%dma_start3A_8 : memref<64xi32, #tpu.memory_space<hbm>>) target(%arg5 : memref<64xi32, #tpu.memory_space<vmem>>) target_semaphore(%run_scoped3A : memref<!tpu.dma_semaphore, #tpu.memory_space<semaphore_mem>>)
      %dma_wait3A_9 = tpu.memref_slice %arg3[%mul3A_2] : memref<2048xi32, #tpu.memory_space<hbm>> -> memref<64xi32, #tpu.memory_space<hbm>>
      %dma_wait3A_10 = tpu.memref_slice %arg3[%mul3A_2] : memref<2048xi32, #tpu.memory_space<hbm>> -> memref<64xi32, #tpu.memory_space<hbm>>
      tpu.wait_dma2 semaphore(%run_scoped3A : memref<!tpu.dma_semaphore, #tpu.memory_space<semaphore_mem>>) src(%dma_wait3A_10 : memref<64xi32, #tpu.memory_space<hbm>>) dst(%arg5 : memref<64xi32, #tpu.memory_space<vmem>>)
      tpu.yield
    }) : () -> ()
    %dma_start3A = arith.constant 0 : i32
    %dma_start3A_3 = arith.constant 0 : i32
    %dma_start3A_4 = tpu.memref_slice %arg2[%dma_start3A, %dma_start3A_3] : memref<8192x384xf32, #tpu.memory_space<hbm>> -> memref<8192x384xf32, #tpu.memory_space<hbm>>
    tpu.enqueue_indirect_dma source(%dma_start3A_4 : memref<8192x384xf32, #tpu.memory_space<hbm>>) target(%arg6 : memref<64x384xf32, #tpu.memory_space<vmem>>) offsets(%arg5 : memref<64xi32, #tpu.memory_space<vmem>>) semaphore(%arg7 : memref<!tpu.dma_semaphore, #tpu.memory_space<semaphore_mem>>)
    %dma_wait3A = arith.constant 0 : i32
    %dma_wait3A_5 = arith.constant 0 : i32
    %dma_wait3A_6 = tpu.memref_slice %arg2[%dma_wait3A, %dma_wait3A_5] : memref<8192x384xf32, #tpu.memory_space<hbm>> -> memref<8192x384xf32, #tpu.memory_space<hbm>>
    tpu.wait_indirect_dma semaphore(%arg7 : memref<!tpu.dma_semaphore, #tpu.memory_space<semaphore_mem>>) src(%dma_wait3A_6 : memref<8192x384xf32, #tpu.memory_space<hbm>>) dst(%arg6 : memref<64x384xf32, #tpu.memory_space<vmem>>)
    "tpu.region"() ({
      %run_scoped3A = tpu.sem_alloc : memref<!tpu.dma_semaphore, #tpu.memory_space<semaphore_mem>>
      %dma_start3A_7 = arith.constant 0 : i32
      %dma_start3A_8 = tpu.memref_slice %arg4[%mul3A_2, %dma_start3A_7] : memref<2048x384xf32, #tpu.memory_space<hbm>> -> memref<64x384xf32, #tpu.memory_space<hbm>>
      %dma_start3A_9 = arith.constant 0 : i32
      %dma_start3A_10 = tpu.memref_slice %arg4[%mul3A_2, %dma_start3A_9] : memref<2048x384xf32, #tpu.memory_space<hbm>> -> memref<64x384xf32, #tpu.memory_space<hbm>>
      tpu.enqueue_dma source(%arg6 : memref<64x384xf32, #tpu.memory_space<vmem>>) target(%dma_start3A_10 : memref<64x384xf32, #tpu.memory_space<hbm>>) target_semaphore(%run_scoped3A : memref<!tpu.dma_semaphore, #tpu.memory_space<semaphore_mem>>)
      %dma_wait3A_11 = arith.constant 0 : i32
      %dma_wait3A_12 = tpu.memref_slice %arg4[%mul3A_2, %dma_wait3A_11] : memref<2048x384xf32, #tpu.memory_space<hbm>> -> memref<64x384xf32, #tpu.memory_space<hbm>>
      %dma_wait3A_13 = arith.constant 0 : i32
      %dma_wait3A_14 = tpu.memref_slice %arg4[%mul3A_2, %dma_wait3A_13] : memref<2048x384xf32, #tpu.memory_space<hbm>> -> memref<64x384xf32, #tpu.memory_space<hbm>>
      tpu.wait_dma2 semaphore(%run_scoped3A : memref<!tpu.dma_semaphore, #tpu.memory_space<semaphore_mem>>) src(%arg6 : memref<64x384xf32, #tpu.memory_space<vmem>>) dst(%dma_wait3A_14 : memref<64x384xf32, #tpu.memory_space<hbm>>)
      tpu.yield
    }) : () -> ()
    return
  }
}

module attributes {stable_mosaic.version = 14 : i64} {
  func.func @_argmin_kernel(%arg0: i32, %arg1: memref<512x384xf32, #tpu.memory_space<vmem>>, %arg2: memref<8192x384xf32, #tpu.memory_space<vmem>>, %arg3: memref<512x1xf32, #tpu.memory_space<vmem>>, %arg4: memref<1x8192xf32, #tpu.memory_space<vmem>>, %arg5: memref<1x1x512xi32, #tpu.memory_space<vmem>>) attributes {dimension_semantics = [#tpu.dimension_semantics<arbitrary>], iteration_bounds = array<i64: 4>, scalar_prefetch = 0 : i64, scratch_operands = 0 : i64, tpu.core_type = #tpu.core_type<tc>, window_params = [{transform_indices = @transform_0, window_bounds = array<i64: 512, 384>}, {pipeline_mode = #tpu.pipeline_mode<synchronous>, transform_indices = @transform_1, window_bounds = array<i64: 8192, 384>}, {transform_indices = @transform_2, window_bounds = array<i64: 512, 1>}, {pipeline_mode = #tpu.pipeline_mode<synchronous>, transform_indices = @transform_3, window_bounds = array<i64: 1, 8192>}, {transform_indices = @transform_4, window_bounds = array<i64: 1, 1, 512>}]} {
    %get3A = arith.constant 0 : index
    %get3A_0 = arith.constant 0 : index
    %get3A_1 = vector.load %arg1[%get3A, %get3A_0] : memref<512x384xf32, #tpu.memory_space<vmem>>, vector<512x384xf32>
    %get3A_2 = arith.constant 0 : index
    %get3A_3 = arith.constant 0 : index
    %get3A_4 = vector.load %arg2[%get3A_2, %get3A_3] : memref<8192x384xf32, #tpu.memory_space<vmem>>, vector<8192x384xf32>
    %mul3A = arith.constant -2.000000e+00 : f32
    %mul3A_5 = vector.broadcast %mul3A : f32 to vector<512x384xf32>
    %mul3A_6 = arith.mulf %get3A_1, %mul3A_5 : vector<512x384xf32>
    %dot_general3A = arith.constant dense<0.000000e+00> : vector<512x8192xf32>
    %dot_general3A_7 = tpu.matmul %mul3A_6, %get3A_4, %dot_general3A {dimension_numbers = #tpu.dot_dimension_numbers<[1], [1], [0], [0], [0, 0, 1, 0], [], []>, transpose_lhs_hint = false} : vector<512x384xf32>, vector<8192x384xf32>, vector<512x8192xf32> -> vector<512x8192xf32>
    %get3A_8 = arith.constant 0 : index
    %get3A_9 = arith.constant 0 : index
    %get3A_10 = vector.load %arg3[%get3A_8, %get3A_9] : memref<512x1xf32, #tpu.memory_space<vmem>>, vector<512x1xf32>
    %add3A = vector.broadcast %get3A_10 : vector<512x1xf32> to vector<512x8192xf32>
    %add3A_11 = arith.addf %add3A, %dot_general3A_7 : vector<512x8192xf32>
    %get3A_12 = arith.constant 0 : index
    %get3A_13 = arith.constant 0 : index
    %get3A_14 = vector.load %arg4[%get3A_12, %get3A_13] : memref<1x8192xf32, #tpu.memory_space<vmem>>, vector<1x8192xf32>
    %add3A_15 = vector.broadcast %get3A_14 : vector<1x8192xf32> to vector<512x8192xf32>
    %add3A_16 = arith.addf %add3A_11, %add3A_15 : vector<512x8192xf32>
    %argmin3A = tpu.reduce_index %add3A_16 {axis = 1 : i32, kind = #tpu.reduction_kind<arg_min>} : vector<512x8192xf32> -> vector<512xi32>
    %swap3A = arith.constant 0 : index
    %swap3A_17 = arith.constant 0 : index
    %swap3A_18 = arith.constant 0 : index
    %swap3A_19 = vector.load %arg5[%swap3A, %swap3A_17, %swap3A_18] : memref<1x1x512xi32, #tpu.memory_space<vmem>>, vector<1x1x512xi32>
    %swap3A_20 = vector.shape_cast %swap3A_19 : vector<1x1x512xi32> to vector<512xi32>
    %swap3A_21 = vector.shape_cast %argmin3A : vector<512xi32> to vector<1x1x512xi32>
    tpu.vector_store %arg5[%swap3A, %swap3A_17, %swap3A_18], %swap3A_21 {strides = array<i32>} : memref<1x1x512xi32, #tpu.memory_space<vmem>>, vector<1x1x512xi32>,
    return
  }
  func.func @transform_0(%arg0: i32) -> (i32, i32) {
    %c0_i32 = arith.constant 0 : i32
    %c0_i32_0 = arith.constant 0 : i32
    return %arg0, %c0_i32 : i32, i32
  }
  func.func @transform_1(%arg0: i32) -> (i32, i32) {
    %c0_i32 = arith.constant 0 : i32
    %c0_i32_0 = arith.constant 0 : i32
    %c0_i32_1 = arith.constant 0 : i32
    return %c0_i32, %c0_i32_0 : i32, i32
  }
  func.func @transform_2(%arg0: i32) -> (i32, i32) {
    %c0_i32 = arith.constant 0 : i32
    %c0_i32_0 = arith.constant 0 : i32
    return %arg0, %c0_i32 : i32, i32
  }
  func.func @transform_3(%arg0: i32) -> (i32, i32) {
    %c0_i32 = arith.constant 0 : i32
    %c0_i32_0 = arith.constant 0 : i32
    %c0_i32_1 = arith.constant 0 : i32
    return %c0_i32, %c0_i32_0 : i32, i32
  }
  func.func @transform_4(%arg0: i32) -> (i32, i32, i32) {
    %c0_i32 = arith.constant 0 : i32
    %c0_i32_0 = arith.constant 0 : i32
    %c0_i32_1 = arith.constant 0 : i32
    return %arg0, %c0_i32, %c0_i32_0 : i32, i32, i32
  }
}

module attributes {stable_mosaic.version = 14 : i64} {
  func.func @_argmin_kernel(%arg0: i32, %arg1: memref<512x384xf32, #tpu.memory_space<vmem>>, %arg2: memref<8192x384xf32, #tpu.memory_space<vmem>>, %arg3: memref<512x1xf32, #tpu.memory_space<vmem>>, %arg4: memref<1x8192xf32, #tpu.memory_space<vmem>>, %arg5: memref<1x1x512xi32, #tpu.memory_space<vmem>>) attributes {dimension_semantics = [#tpu.dimension_semantics<arbitrary>], iteration_bounds = array<i64: 16>, scalar_prefetch = 0 : i64, scratch_operands = 0 : i64, tpu.core_type = #tpu.core_type<tc>, window_params = [{transform_indices = @transform_0, window_bounds = array<i64: 512, 384>}, {pipeline_mode = #tpu.pipeline_mode<synchronous>, transform_indices = @transform_1, window_bounds = array<i64: 8192, 384>}, {transform_indices = @transform_2, window_bounds = array<i64: 512, 1>}, {pipeline_mode = #tpu.pipeline_mode<synchronous>, transform_indices = @transform_3, window_bounds = array<i64: 1, 8192>}, {transform_indices = @transform_4, window_bounds = array<i64: 1, 1, 512>}]} {
    %get3A = arith.constant 0 : index
    %get3A_0 = arith.constant 0 : index
    %get3A_1 = vector.load %arg1[%get3A, %get3A_0] : memref<512x384xf32, #tpu.memory_space<vmem>>, vector<512x384xf32>
    %get3A_2 = arith.constant 0 : index
    %get3A_3 = arith.constant 0 : index
    %get3A_4 = vector.load %arg2[%get3A_2, %get3A_3] : memref<8192x384xf32, #tpu.memory_space<vmem>>, vector<8192x384xf32>
    %mul3A = arith.constant -2.000000e+00 : f32
    %mul3A_5 = vector.broadcast %mul3A : f32 to vector<512x384xf32>
    %mul3A_6 = arith.mulf %get3A_1, %mul3A_5 : vector<512x384xf32>
    %dot_general3A = arith.constant dense<0.000000e+00> : vector<512x8192xf32>
    %dot_general3A_7 = tpu.matmul %mul3A_6, %get3A_4, %dot_general3A {dimension_numbers = #tpu.dot_dimension_numbers<[1], [1], [0], [0], [0, 0, 1, 0], [], []>, transpose_lhs_hint = false} : vector<512x384xf32>, vector<8192x384xf32>, vector<512x8192xf32> -> vector<512x8192xf32>
    %get3A_8 = arith.constant 0 : index
    %get3A_9 = arith.constant 0 : index
    %get3A_10 = vector.load %arg3[%get3A_8, %get3A_9] : memref<512x1xf32, #tpu.memory_space<vmem>>, vector<512x1xf32>
    %add3A = vector.broadcast %get3A_10 : vector<512x1xf32> to vector<512x8192xf32>
    %add3A_11 = arith.addf %add3A, %dot_general3A_7 : vector<512x8192xf32>
    %get3A_12 = arith.constant 0 : index
    %get3A_13 = arith.constant 0 : index
    %get3A_14 = vector.load %arg4[%get3A_12, %get3A_13] : memref<1x8192xf32, #tpu.memory_space<vmem>>, vector<1x8192xf32>
    %add3A_15 = vector.broadcast %get3A_14 : vector<1x8192xf32> to vector<512x8192xf32>
    %add3A_16 = arith.addf %add3A_11, %add3A_15 : vector<512x8192xf32>
    %argmin3A = tpu.reduce_index %add3A_16 {axis = 1 : i32, kind = #tpu.reduction_kind<arg_min>} : vector<512x8192xf32> -> vector<512xi32>
    %swap3A = arith.constant 0 : index
    %swap3A_17 = arith.constant 0 : index
    %swap3A_18 = arith.constant 0 : index
    %swap3A_19 = vector.load %arg5[%swap3A, %swap3A_17, %swap3A_18] : memref<1x1x512xi32, #tpu.memory_space<vmem>>, vector<1x1x512xi32>
    %swap3A_20 = vector.shape_cast %swap3A_19 : vector<1x1x512xi32> to vector<512xi32>
    %swap3A_21 = vector.shape_cast %argmin3A : vector<512xi32> to vector<1x1x512xi32>
    tpu.vector_store %arg5[%swap3A, %swap3A_17, %swap3A_18], %swap3A_21 {strides = array<i32>} : memref<1x1x512xi32, #tpu.memory_space<vmem>>, vector<1x1x512xi32>,
    return
  }
  func.func @transform_0(%arg0: i32) -> (i32, i32) {
    %c0_i32 = arith.constant 0 : i32
    %c0_i32_0 = arith.constant 0 : i32
    return %arg0, %c0_i32 : i32, i32
  }
  func.func @transform_1(%arg0: i32) -> (i32, i32) {
    %c0_i32 = arith.constant 0 : i32
    %c0_i32_0 = arith.constant 0 : i32
    %c0_i32_1 = arith.constant 0 : i32
    return %c0_i32, %c0_i32_0 : i32, i32
  }
  func.func @transform_2(%arg0: i32) -> (i32, i32) {
    %c0_i32 = arith.constant 0 : i32
    %c0_i32_0 = arith.constant 0 : i32
    return %arg0, %c0_i32 : i32, i32
  }
  func.func @transform_3(%arg0: i32) -> (i32, i32) {
    %c0_i32 = arith.constant 0 : i32
    %c0_i32_0 = arith.constant 0 : i32
    %c0_i32_1 = arith.constant 0 : i32
    return %c0_i32, %c0_i32_0 : i32, i32
  }
  func.func @transform_4(%arg0: i32) -> (i32, i32, i32) {
    %c0_i32 = arith.constant 0 : i32
    %c0_i32_0 = arith.constant 0 : i32
    %c0_i32_1 = arith.constant 0 : i32
    return %arg0, %c0_i32, %c0_i32_0 : i32, i32, i32
  }
}

module attributes {stable_mosaic.version = 14 : i64} {
  func.func @_loss_kernel(%arg0: i32, %arg1: memref<512x384xf32, #tpu.memory_space<vmem>>, %arg2: memref<512x384xf32, #tpu.memory_space<vmem>>, %arg3: memref<1x1xf32, #tpu.memory_space<vmem>>, %arg4: memref<1x1xf32, #tpu.memory_space<smem>>) attributes {dimension_semantics = [#tpu.dimension_semantics<arbitrary>], iteration_bounds = array<i64: 4>, scalar_prefetch = 0 : i64, scratch_operands = 1 : i64, tpu.core_type = #tpu.core_type<tc>, window_params = [{transform_indices = @transform_0, window_bounds = array<i64: 512, 384>}, {transform_indices = @transform_1, window_bounds = array<i64: 512, 384>}, {pipeline_mode = #tpu.pipeline_mode<synchronous>, transform_indices = @transform_2, window_bounds = array<i64: 1, 1>}]} {
    %get3A = arith.constant 0 : index
    %get3A_0 = arith.constant 0 : index
    %get3A_1 = vector.load %arg1[%get3A, %get3A_0] : memref<512x384xf32, #tpu.memory_space<vmem>>, vector<512x384xf32>
    %get3A_2 = arith.constant 0 : index
    %get3A_3 = arith.constant 0 : index
    %get3A_4 = vector.load %arg2[%get3A_2, %get3A_3] : memref<512x384xf32, #tpu.memory_space<vmem>>, vector<512x384xf32>
    %sub3A = arith.subf %get3A_1, %get3A_4 : vector<512x384xf32>
    %mul3A = arith.mulf %sub3A, %sub3A : vector<512x384xf32>
    %reduce_sum3A = vector.shape_cast %mul3A : vector<512x384xf32> to vector<1x512x384xf32>
    %reduce_sum3A_5 = arith.constant dense<0.000000e+00> : vector<1xf32>
    %reduce_sum3A_6 = vector.multi_reduction <add>, %reduce_sum3A, %reduce_sum3A_5 [1, 2] : vector<1x512x384xf32> to vector<1xf32>
    %reduce_sum3A_7 = vector.shape_cast %reduce_sum3A_6 : vector<1xf32> to vector<1x1x1xf32>
    %reduce_sum3A_8 = vector.extract %reduce_sum3A_7[0, 0, 0] : f32 from vector<1x1x1xf32>
    %eq3A = arith.constant 0 : i32
    %eq3A_9 = arith.cmpi eq, %arg0, %eq3A : i32
    %convert_element_type3A = arith.extui %eq3A_9 : i1 to i32
    %cond3A = arith.constant 0 : i32
    %cond3A_10 = arith.cmpi ne, %convert_element_type3A, %cond3A : i32
    scf.if %cond3A_10 {
      %swap3A = arith.constant 0 : index
      %swap3A_20 = arith.constant 0 : index
      %swap3A_21 = memref.load %arg4[%swap3A, %swap3A_20] : memref<1x1xf32, #tpu.memory_space<smem>>
      memref.store %reduce_sum3A_8, %arg4[%swap3A, %swap3A_20] : memref<1x1xf32, #tpu.memory_space<smem>>
    } else {
    }
    %gt3A = arith.constant 0 : i32
    %gt3A_11 = arith.cmpi sgt, %arg0, %gt3A : i32
    %convert_element_type3A_12 = arith.extui %gt3A_11 : i1 to i32
    %cond3A_13 = arith.constant 0 : i32
    %cond3A_14 = arith.cmpi ne, %convert_element_type3A_12, %cond3A_13 : i32
    scf.if %cond3A_14 {
      %get3A_20 = arith.constant 0 : index
      %get3A_21 = arith.constant 0 : index
      %get3A_22 = memref.load %arg4[%get3A_20, %get3A_21] : memref<1x1xf32, #tpu.memory_space<smem>>
      %add3A = arith.addf %get3A_22, %reduce_sum3A_8 : f32
      %swap3A = arith.constant 0 : index
      %swap3A_23 = arith.constant 0 : index
      %swap3A_24 = memref.load %arg4[%swap3A, %swap3A_23] : memref<1x1xf32, #tpu.memory_space<smem>>
      memref.store %add3A, %arg4[%swap3A, %swap3A_23] : memref<1x1xf32, #tpu.memory_space<smem>>
    } else {
    }
    %eq3A_15 = arith.constant 3 : i32
    %eq3A_16 = arith.cmpi eq, %arg0, %eq3A_15 : i32
    %convert_element_type3A_17 = arith.extui %eq3A_16 : i1 to i32
    %cond3A_18 = arith.constant 0 : i32
    %cond3A_19 = arith.cmpi ne, %convert_element_type3A_17, %cond3A_18 : i32
    scf.if %cond3A_19 {
      %get3A_20 = arith.constant 0 : index
      %get3A_21 = arith.constant 0 : index
      %get3A_22 = memref.load %arg4[%get3A_20, %get3A_21] : memref<1x1xf32, #tpu.memory_space<smem>>
      %mul3A_23 = arith.constant 6.3578291E-8 : f32
      %mul3A_24 = arith.mulf %get3A_22, %mul3A_23 : f32
      %broadcast_in_dim3A = vector.broadcast %mul3A_24 : f32 to vector<1x1xf32>
      %swap3A = arith.constant 0 : index
      %swap3A_25 = arith.constant 0 : index
      %swap3A_26 = vector.load %arg3[%swap3A, %swap3A_25] : memref<1x1xf32, #tpu.memory_space<vmem>>, vector<1x1xf32>
      tpu.vector_store %arg3[%swap3A, %swap3A_25], %broadcast_in_dim3A {strides = array<i32>} : memref<1x1xf32, #tpu.memory_space<vmem>>, vector<1x1xf32>,
    } else {
    }
    return
  }
  func.func @transform_0(%arg0: i32) -> (i32, i32) {
    %c0_i32 = arith.constant 0 : i32
    %c0_i32_0 = arith.constant 0 : i32
    return %arg0, %c0_i32 : i32, i32
  }
  func.func @transform_1(%arg0: i32) -> (i32, i32) {
    %c0_i32 = arith.constant 0 : i32
    %c0_i32_0 = arith.constant 0 : i32
    return %arg0, %c0_i32 : i32, i32
  }
  func.func @transform_2(%arg0: i32) -> (i32, i32) {
    %c0_i32 = arith.constant 0 : i32
    %c0_i32_0 = arith.constant 0 : i32
    %c0_i32_1 = arith.constant 0 : i32
    return %c0_i32, %c0_i32_0 : i32, i32
  }
}

module attributes {stable_mosaic.version = 14 : i64} {
  func.func @_loss_kernel(%arg0: i32, %arg1: memref<512x384xf32, #tpu.memory_space<vmem>>, %arg2: memref<512x384xf32, #tpu.memory_space<vmem>>, %arg3: memref<1x1xf32, #tpu.memory_space<vmem>>, %arg4: memref<1x1xf32, #tpu.memory_space<smem>>) attributes {dimension_semantics = [#tpu.dimension_semantics<arbitrary>], iteration_bounds = array<i64: 16>, scalar_prefetch = 0 : i64, scratch_operands = 1 : i64, tpu.core_type = #tpu.core_type<tc>, window_params = [{transform_indices = @transform_0, window_bounds = array<i64: 512, 384>}, {transform_indices = @transform_1, window_bounds = array<i64: 512, 384>}, {pipeline_mode = #tpu.pipeline_mode<synchronous>, transform_indices = @transform_2, window_bounds = array<i64: 1, 1>}]} {
    %get3A = arith.constant 0 : index
    %get3A_0 = arith.constant 0 : index
    %get3A_1 = vector.load %arg1[%get3A, %get3A_0] : memref<512x384xf32, #tpu.memory_space<vmem>>, vector<512x384xf32>
    %get3A_2 = arith.constant 0 : index
    %get3A_3 = arith.constant 0 : index
    %get3A_4 = vector.load %arg2[%get3A_2, %get3A_3] : memref<512x384xf32, #tpu.memory_space<vmem>>, vector<512x384xf32>
    %sub3A = arith.subf %get3A_1, %get3A_4 : vector<512x384xf32>
    %mul3A = arith.mulf %sub3A, %sub3A : vector<512x384xf32>
    %reduce_sum3A = vector.shape_cast %mul3A : vector<512x384xf32> to vector<1x512x384xf32>
    %reduce_sum3A_5 = arith.constant dense<0.000000e+00> : vector<1xf32>
    %reduce_sum3A_6 = vector.multi_reduction <add>, %reduce_sum3A, %reduce_sum3A_5 [1, 2] : vector<1x512x384xf32> to vector<1xf32>
    %reduce_sum3A_7 = vector.shape_cast %reduce_sum3A_6 : vector<1xf32> to vector<1x1x1xf32>
    %reduce_sum3A_8 = vector.extract %reduce_sum3A_7[0, 0, 0] : f32 from vector<1x1x1xf32>
    %eq3A = arith.constant 0 : i32
    %eq3A_9 = arith.cmpi eq, %arg0, %eq3A : i32
    %convert_element_type3A = arith.extui %eq3A_9 : i1 to i32
    %cond3A = arith.constant 0 : i32
    %cond3A_10 = arith.cmpi ne, %convert_element_type3A, %cond3A : i32
    scf.if %cond3A_10 {
      %swap3A = arith.constant 0 : index
      %swap3A_20 = arith.constant 0 : index
      %swap3A_21 = memref.load %arg4[%swap3A, %swap3A_20] : memref<1x1xf32, #tpu.memory_space<smem>>
      memref.store %reduce_sum3A_8, %arg4[%swap3A, %swap3A_20] : memref<1x1xf32, #tpu.memory_space<smem>>
    } else {
    }
    %gt3A = arith.constant 0 : i32
    %gt3A_11 = arith.cmpi sgt, %arg0, %gt3A : i32
    %convert_element_type3A_12 = arith.extui %gt3A_11 : i1 to i32
    %cond3A_13 = arith.constant 0 : i32
    %cond3A_14 = arith.cmpi ne, %convert_element_type3A_12, %cond3A_13 : i32
    scf.if %cond3A_14 {
      %get3A_20 = arith.constant 0 : index
      %get3A_21 = arith.constant 0 : index
      %get3A_22 = memref.load %arg4[%get3A_20, %get3A_21] : memref<1x1xf32, #tpu.memory_space<smem>>
      %add3A = arith.addf %get3A_22, %reduce_sum3A_8 : f32
      %swap3A = arith.constant 0 : index
      %swap3A_23 = arith.constant 0 : index
      %swap3A_24 = memref.load %arg4[%swap3A, %swap3A_23] : memref<1x1xf32, #tpu.memory_space<smem>>
      memref.store %add3A, %arg4[%swap3A, %swap3A_23] : memref<1x1xf32, #tpu.memory_space<smem>>
    } else {
    }
    %eq3A_15 = arith.constant 15 : i32
    %eq3A_16 = arith.cmpi eq, %arg0, %eq3A_15 : i32
    %convert_element_type3A_17 = arith.extui %eq3A_16 : i1 to i32
    %cond3A_18 = arith.constant 0 : i32
    %cond3A_19 = arith.cmpi ne, %convert_element_type3A_17, %cond3A_18 : i32
    scf.if %cond3A_19 {
      %get3A_20 = arith.constant 0 : index
      %get3A_21 = arith.constant 0 : index
      %get3A_22 = memref.load %arg4[%get3A_20, %get3A_21] : memref<1x1xf32, #tpu.memory_space<smem>>
      %mul3A_23 = arith.constant 7.9472862E-8 : f32
      %mul3A_24 = arith.mulf %get3A_22, %mul3A_23 : f32
      %broadcast_in_dim3A = vector.broadcast %mul3A_24 : f32 to vector<1x1xf32>
      %swap3A = arith.constant 0 : index
      %swap3A_25 = arith.constant 0 : index
      %swap3A_26 = vector.load %arg3[%swap3A, %swap3A_25] : memref<1x1xf32, #tpu.memory_space<vmem>>, vector<1x1xf32>
      tpu.vector_store %arg3[%swap3A, %swap3A_25], %broadcast_in_dim3A {strides = array<i32>} : memref<1x1xf32, #tpu.memory_space<vmem>>, vector<1x1xf32>,
    } else {
    }
    return
  }
  func.func @transform_0(%arg0: i32) -> (i32, i32) {
    %c0_i32 = arith.constant 0 : i32
    %c0_i32_0 = arith.constant 0 : i32
    return %arg0, %c0_i32 : i32, i32
  }
  func.func @transform_1(%arg0: i32) -> (i32, i32) {
    %c0_i32 = arith.constant 0 : i32
    %c0_i32_0 = arith.constant 0 : i32
    return %arg0, %c0_i32 : i32, i32
  }
  func.func @transform_2(%arg0: i32) -> (i32, i32) {
    %c0_i32 = arith.constant 0 : i32
    %c0_i32_0 = arith.constant 0 : i32
    %c0_i32_1 = arith.constant 0 : i32
    return %c0_i32, %c0_i32_0 : i32, i32
  }
}

module attributes {stable_mosaic.version = 14 : i64} {
  func.func @_loss_kernel(%arg0: i32, %arg1: memref<512x384xf32, #tpu.memory_space<vmem>>, %arg2: memref<512x384xf32, #tpu.memory_space<vmem>>, %arg3: memref<1x1xf32, #tpu.memory_space<vmem>>, %arg4: memref<1x1xf32, #tpu.memory_space<smem>>) attributes {dimension_semantics = [#tpu.dimension_semantics<arbitrary>], iteration_bounds = array<i64: 16>, scalar_prefetch = 0 : i64, scratch_operands = 1 : i64, tpu.core_type = #tpu.core_type<tc>, window_params = [{transform_indices = @transform_0, window_bounds = array<i64: 512, 384>}, {transform_indices = @transform_1, window_bounds = array<i64: 512, 384>}, {pipeline_mode = #tpu.pipeline_mode<synchronous>, transform_indices = @transform_2, window_bounds = array<i64: 1, 1>}]} {
    %get3A = arith.constant 0 : index
    %get3A_0 = arith.constant 0 : index
    %get3A_1 = vector.load %arg1[%get3A, %get3A_0] : memref<512x384xf32, #tpu.memory_space<vmem>>, vector<512x384xf32>
    %get3A_2 = arith.constant 0 : index
    %get3A_3 = arith.constant 0 : index
    %get3A_4 = vector.load %arg2[%get3A_2, %get3A_3] : memref<512x384xf32, #tpu.memory_space<vmem>>, vector<512x384xf32>
    %sub3A = arith.subf %get3A_1, %get3A_4 : vector<512x384xf32>
    %mul3A = arith.mulf %sub3A, %sub3A : vector<512x384xf32>
    %reduce_sum3A = vector.shape_cast %mul3A : vector<512x384xf32> to vector<1x512x384xf32>
    %reduce_sum3A_5 = arith.constant dense<0.000000e+00> : vector<1xf32>
    %reduce_sum3A_6 = vector.multi_reduction <add>, %reduce_sum3A, %reduce_sum3A_5 [1, 2] : vector<1x512x384xf32> to vector<1xf32>
    %reduce_sum3A_7 = vector.shape_cast %reduce_sum3A_6 : vector<1xf32> to vector<1x1x1xf32>
    %reduce_sum3A_8 = vector.extract %reduce_sum3A_7[0, 0, 0] : f32 from vector<1x1x1xf32>
    %eq3A = arith.constant 0 : i32
    %eq3A_9 = arith.cmpi eq, %arg0, %eq3A : i32
    %convert_element_type3A = arith.extui %eq3A_9 : i1 to i32
    %cond3A = arith.constant 0 : i32
    %cond3A_10 = arith.cmpi ne, %convert_element_type3A, %cond3A : i32
    scf.if %cond3A_10 {
      %swap3A = arith.constant 0 : index
      %swap3A_20 = arith.constant 0 : index
      %swap3A_21 = memref.load %arg4[%swap3A, %swap3A_20] : memref<1x1xf32, #tpu.memory_space<smem>>
      memref.store %reduce_sum3A_8, %arg4[%swap3A, %swap3A_20] : memref<1x1xf32, #tpu.memory_space<smem>>
    } else {
    }
    %gt3A = arith.constant 0 : i32
    %gt3A_11 = arith.cmpi sgt, %arg0, %gt3A : i32
    %convert_element_type3A_12 = arith.extui %gt3A_11 : i1 to i32
    %cond3A_13 = arith.constant 0 : i32
    %cond3A_14 = arith.cmpi ne, %convert_element_type3A_12, %cond3A_13 : i32
    scf.if %cond3A_14 {
      %get3A_20 = arith.constant 0 : index
      %get3A_21 = arith.constant 0 : index
      %get3A_22 = memref.load %arg4[%get3A_20, %get3A_21] : memref<1x1xf32, #tpu.memory_space<smem>>
      %add3A = arith.addf %get3A_22, %reduce_sum3A_8 : f32
      %swap3A = arith.constant 0 : index
      %swap3A_23 = arith.constant 0 : index
      %swap3A_24 = memref.load %arg4[%swap3A, %swap3A_23] : memref<1x1xf32, #tpu.memory_space<smem>>
      memref.store %add3A, %arg4[%swap3A, %swap3A_23] : memref<1x1xf32, #tpu.memory_space<smem>>
    } else {
    }
    %eq3A_15 = arith.constant 15 : i32
    %eq3A_16 = arith.cmpi eq, %arg0, %eq3A_15 : i32
    %convert_element_type3A_17 = arith.extui %eq3A_16 : i1 to i32
    %cond3A_18 = arith.constant 0 : i32
    %cond3A_19 = arith.cmpi ne, %convert_element_type3A_17, %cond3A_18 : i32
    scf.if %cond3A_19 {
      %get3A_20 = arith.constant 0 : index
      %get3A_21 = arith.constant 0 : index
      %get3A_22 = memref.load %arg4[%get3A_20, %get3A_21] : memref<1x1xf32, #tpu.memory_space<smem>>
      %mul3A_23 = arith.constant 1.90734866E-7 : f32
      %mul3A_24 = arith.mulf %get3A_22, %mul3A_23 : f32
      %broadcast_in_dim3A = vector.broadcast %mul3A_24 : f32 to vector<1x1xf32>
      %swap3A = arith.constant 0 : index
      %swap3A_25 = arith.constant 0 : index
      %swap3A_26 = vector.load %arg3[%swap3A, %swap3A_25] : memref<1x1xf32, #tpu.memory_space<vmem>>, vector<1x1xf32>
      tpu.vector_store %arg3[%swap3A, %swap3A_25], %broadcast_in_dim3A {strides = array<i32>} : memref<1x1xf32, #tpu.memory_space<vmem>>, vector<1x1xf32>,
    } else {
    }
    return
  }
  func.func @transform_0(%arg0: i32) -> (i32, i32) {
    %c0_i32 = arith.constant 0 : i32
    %c0_i32_0 = arith.constant 0 : i32
    return %arg0, %c0_i32 : i32, i32
  }
  func.func @transform_1(%arg0: i32) -> (i32, i32) {
    %c0_i32 = arith.constant 0 : i32
    %c0_i32_0 = arith.constant 0 : i32
    return %arg0, %c0_i32 : i32, i32
  }
  func.func @transform_2(%arg0: i32) -> (i32, i32) {
    %c0_i32 = arith.constant 0 : i32
    %c0_i32_0 = arith.constant 0 : i32
    %c0_i32_1 = arith.constant 0 : i32
    return %c0_i32, %c0_i32_0 : i32, i32
  }
}

</mosaic_0001>

<sc_bundles>
// kernel: kernel.11.cloned.1.call-start
scs
__scs_entry_jumppad:
0x0: {  	(pc) =	sbr.rel $0x88, $3  }
0x1: {  	(tag) =	ssettag $0x0;
	lr =	simm.s32 $0x1  }
0x2: {  	[smem:$0x3F9B] =	sst lr;
	_ =	strace $0xD0000000  }
0x3: {  	_ = 	snop  }
0x4: {  	_ = 	snop  }
0x5: {  	_ = 	snop  }
0x6: {  	_ = 	snop  }
0x7: {  	_ = 	snop  }
__scs_overlays_trampoline_lowered:
0x8: {  	[smem:$0x3FAA] =	sst s0  }
0x9: {  	[smem:$0x3FAB] =	sst s1  }
0xa: {  	[smem:$0x3FAC] =	sst s2  }
0xb: {  	[smem:$0x3FAD] =	sst s3  }
0xc: {  	[smem:$0x3FAE] =	sst s4  }
0xd: {  	[smem:$0x3FAF] =	sst s5  }
0xe: {  	[smem:$0x3FB0] =	sst s6  }
0xf: {  	[smem:$0x3FB1] =	sst s7  }
0x10: {  	[smem:$0x3FB2] =	sst s8  }
0x11: {  	[smem:$0x3FB3] =	sst s9;
	s0 =	simm.s32 @!p0 $0x0  }
0x12: {  	s1 =	sld [smem:$0x3F99];
	s0 =	simm.s32 @p0 $0x1  }
0x13: {  	[smem:$0x3FB4] =	sst s0;
	s0 =	simm.s32 @!p1 $0x0  }
0x14: {  	s2 =	sld [smem:$0x3F98];
	s0 =	simm.s32 @p1 $0x1  }
0x15: {  	[smem:$0x3FB5] =	sst s0;
	s0 =	simm.s32 @!p2 $0x0  }
0x16: {  	s3 =	sld [smem:$0x3FDB];
	s0 =	simm.s32 @p2 $0x1  }
0x17: {  	s4 =	simm.s32 $0x1BF5;
	[smem:$0x3FB7] =	sst s0  }
0x18: {  	s0 =	sld [smem:$0x3F9A];
	_ =	swait.ge [sflag:s4], $0x0  }
0x19: {  	s7 =	sld [smem:$0x3F9B]  }
0x1a: {  	s8 =	sadd.s32 $0xFFFFE003, lr  }
0x1b: {  	s9 =	sadd.s32 $0xFFFFFEF7, lr;
	s5 =	simm.s32 $0xFFFFFFFF;
	p2 =	slt.u32 s8, $0xFFFFF086  }
0x1c: {  	p1 =	slt.u32 s9, $0xF7A;
	s5 =	simm.s32 @!p2 $0x0  }
0x1d: {  	s5 =	simm.s32 @p1 $0x1;
	p0 =	seq.s32 s7, s2  }
0x1e: {  	s7 =	smul.u32 @!p0 $0xF7A, s2;
	p2 =	seq.s32 @!p0 s5, $0x0  }
0x1f: {  	s9 =	smul.u32 $0xF7A, s1;
	s8 =	simm.s32 @!p0 $0x1BF5;
	p2 =	por !p2, p0  }
0x20: {  	[sflag:s8] =	ssyncset.s32 @!p0 $0xFFFFF086;
	s6 =	sadd.s32 @!p0 s3, s7;
	s7 =	simm.s32 @!p0 $0x108  }
0x21: {  	s3 =	sadd.s32 s3, s9;
	s6 =	sadd.s32 @!p0 $0x88, s6;
	s7 =	simm.s32 @p2 $0x1082  }
0x22: {  	[simem:s7], [sflag:s8] =	dma.local @!p0 [hbm:s6], $0xF7A  }
0x23: {  	s9 =	sor.u32 $0xD0000000, s2;
	s6 =	simm.s32 $0x108;
	_ =	swait.ge @!p0 [sflag:s8], $0x0  }
0x24: {  	s3 =	sadd.s32 $0x88, s3;
	s6 =	simm.s32 @!p1 $0x1082;
	[sflag:s4] =	ssyncset.s32 $0xFFFFF086  }
0x25: {  	[simem:s6], [sflag:s4] =	dma.local [hbm:s3], $0xF7A  }
0x26: {  	[smem:$0x3F9B] =	sst s1;
	(tag) =	ssettag s2;
	_ =	strace s9  }
0x27: {  	s1 =	sld [smem:$0x3FAB]  }
0x28: {  	s2 =	sld [smem:$0x3FAC]  }
0x29: {  	s4 =	sld [smem:$0x3FAE]  }
0x2a: {  	p0 =	seq.s32 s5, $0x0;
	s5 =	sld [smem:$0x3FAF]  }
0x2b: {  	s6 =	sld [smem:$0x3FB0]  }
0x2c: {  	s7 =	sld [smem:$0x3FB1]  }
0x2d: {  	s3 =	simm.s32 $0x108;
	s8 =	sld [smem:$0x3FB2]  }
0x2e: {  	s3 =	simm.s32 @!p0 $0x1082;
	s9 =	sld [smem:$0x3FB3]  }
0x2f: {  	lr =	sadd.s32 s0, s3;
	s0 =	sld [smem:$0x3FAA]  }
0x30: {  	s3 =	sld [smem:$0x3FAD]  }
0x31: {  	[smem:$0x3FB6] =	sst s10  }
0x32: {  	s10 =	sld [smem:$0x3FB4];
	_ =	sdelay $0x3  }
0x33: {  	p0 =	seq.s32 s10, $0x1;
	s10 =	sld [smem:$0x3FB6];
	_ =	sdelay $0x3  }
0x34: {  	[smem:$0x3FB6] =	sst s10  }
0x35: {  	s10 =	sld [smem:$0x3FB5];
	_ =	sdelay $0x3  }
0x36: {  	p1 =	seq.s32 s10, $0x1;
	s10 =	sld [smem:$0x3FB6];
	_ =	sdelay $0x3  }
0x37: {  	[smem:$0x3FB6] =	sst s10  }
0x38: {  	s10 =	sld [smem:$0x3FB7]  }
0x39: {  	_ = 	snop;
	(pc) =	sbr.ind lr, $3  }
0x3a: {  	_ = 	snop  }
0x3b: {  	_ = 	snop  }
0x3c: {  	p2 =	seq.s32 s10, $0x1;
	s10 =	sld [smem:$0x3FB6]  }
0x3d: {  	_ =	shalt  }
0x3e: {  	_ =	shalt  }
0x3f: {  	_ =	shalt  }
0x40: {  	_ =	shalt  }
0x41: {  	_ =	shalt  }
0x42: {  	_ =	shalt  }
0x43: {  	_ =	shalt  }
0x44: {  	_ =	shalt  }
0x45: {  	_ =	shalt  }
0x46: {  	_ =	shalt  }
0x47: {  	_ =	shalt  }
0x48: {  	_ =	shalt  }
0x49: {  	_ =	shalt  }
0x4a: {  	_ =	shalt  }
0x4b: {  	_ =	shalt  }
0x4c: {  	_ =	shalt  }
0x4d: {  	_ =	shalt  }
0x4e: {  	_ =	shalt  }
0x4f: {  	_ =	shalt  }
0x50: {  	_ =	shalt  }
0x51: {  	_ =	shalt  }
0x52: {  	_ =	shalt  }
0x53: {  	_ =	shalt  }
0x54: {  	_ =	shalt  }
0x55: {  	_ =	shalt  }
0x56: {  	_ =	shalt  }
0x57: {  	_ =	shalt  }
0x58: {  	_ =	shalt  }
0x59: {  	_ =	shalt  }
0x5a: {  	_ =	shalt  }
0x5b: {  	_ =	shalt  }
0x5c: {  	_ =	shalt  }
0x5d: {  	_ =	shalt  }
0x5e: {  	_ =	shalt  }
0x5f: {  	_ =	shalt  }
0x60: {  	_ =	shalt  }
0x61: {  	_ =	shalt  }
0x62: {  	_ =	shalt  }
0x63: {  	_ =	shalt  }
0x64: {  	_ =	shalt  }
0x65: {  	_ =	shalt  }
0x66: {  	_ =	shalt  }
0x67: {  	_ =	shalt  }
0x68: {  	_ =	shalt  }
0x69: {  	_ =	shalt  }
0x6a: {  	_ =	shalt  }
0x6b: {  	_ =	shalt  }
0x6c: {  	_ =	shalt  }
0x6d: {  	_ =	shalt  }
0x6e: {  	_ =	shalt  }
0x6f: {  	_ =	shalt  }
0x70: {  	_ =	shalt  }
0x71: {  	_ =	shalt  }
0x72: {  	_ =	shalt  }
0x73: {  	_ =	shalt  }
0x74: {  	_ =	shalt  }
0x75: {  	_ =	shalt  }
0x76: {  	_ =	shalt  }
0x77: {  	_ =	shalt  }
0x78: {  	_ =	shalt  }
0x79: {  	_ =	shalt  }
0x7a: {  	_ =	shalt  }
0x7b: {  	_ =	shalt  }
0x7c: {  	_ =	shalt  }
0x7d: {  	_ =	shalt  }
0x7e: {  	_ =	shalt  }
0x7f: {  	_ =	shalt  }
0x80: {  	_ =	shalt  }
0x81: {  	_ =	shalt  }
0x82: {  	_ =	shalt  }
0x83: {  	_ =	shalt  }
0x84: {  	_ =	shalt  }
0x85: {  	_ =	shalt  }
0x86: {  	_ =	shalt  }
0x87: {  	_ =	shalt  }
.Lfunc_end0:
.L_simem_size_0:
called_computation_lowered:
.L_overlay_start_0:
0x88: {  	s2 =	sld [smem:$0x3FD9]  }
0x89: {  	s3 =	sld [smem:$0x3FFE];
	_ =	sdelay $0x1  }
0x8a: {  	s1 =	srdreg.scid  }
0x8b: {  	s0 =	sand.u32 $0x1, s1  }
0x8c: {  	s14 =	sshll.u32 s0, $0xA;
	s2 =	sadd.s32 s3, s2  }
0x8d: {  	s2 =	sadd.s32 s2, s14  }
0x8e: {  	[smem:$0x3FC2] =	sst s2  }
0x8f: {  	_ = 	snop  }
0x90: {  	s2 =	sld [smem:$0x3FD0];
	_ =	sdelay $0x2  }
0x91: {  	s4 =	simm.s32 $0xC;
	s5 =	simm.s32 $0x10;
	s15 =	sld [smem:$0x3FC6]  }
0x92: {  	[smem:s5], [sflag:s4] =	dma.local [hbm:s2], $0x1  }
0x93: {  	_ =	swait.eq [sflag:s4], $0x1  }
0x94: {  	[sflag:s4] =	ssyncset.done $0x0  }
0x95: {  	[sflag:s4] =	ssyncadd.s32 $0xFFFFFFFF  }
0x96: {  	s16 =	sld [smem:$0x14];
	(tm) =	ssettm $0x1  }
0x97: {  	s17 =	sld [smem:$0x3FFB];
	_ =	sdelay $0x3  }
0x98: {  	_ =	strace s17  }
0x99: {  	s4 =	sld [smem:$0x3FFC];
	_ =	sdelay $0x3  }
0x9a: {  	_ =	strace s4  }
0x9b: {  	s4 =	sld [smem:$0x3FFD];
	_ =	sdelay $0x3  }
0x9c: {  	_ =	strace s4  }
0x9d: {  	_ =	strace $0x8FFFFFFF  }
0x9e: {  	s18 =	sld [smem:$0x3FDB];
	_ =	sdelay $0x1  }
0x9f: {  	s19 =	simm.s32 $_scs_section_size  }
0xa0: {  	s6 =	simm.s32 $_size__tile_overlayer_lowered;
	s7 =	simm.s32 $_tile_overlayer_lowered  }
0xa1: {  	s22 =	simm.s32 $0x1BFF;
	s21 =	sshll.u32 s7, $0x1;
	s4 =	sadd.s32 s19, s18  }
0xa2: {  	s8 =	simm.s32 $0x0;
	s20 =	sshll.u32 s6, $0x1;
	s6 =	sadd.s32 s21, s4  }
0xa3: {  	[timem:s8], [sflag:s22] =	dma.local [hbm:s6], s20  }
0xa4: {  	_ =	swait.ge [sflag:s22], s20  }
0xa5: {  	s5 =	ssub.s32 $0x0, s20;
	[sflag:s22] =	ssyncset.done $0x0  }
0xa6: {  	[sflag:s22] =	ssyncadd.s32 s5;
	_ =	sdelay $0x1  }
0xa7: {  	s23 =	simm.s32 $0x1B8B  }
0xa8: {  	_ =	swait.ge [sflag:s23], $0x1  }
0xa9: {  	[sflag:s23] =	ssyncset.done $0x0  }
0xaa: {  	s25 =	simm.s32 $0x1B8E;
	s24 =	sld [smem:$0x3FFE];
	[sflag:s23] =	ssyncadd.s32 $0xFFFFFFFF  }
0xab: {  	s26 =	simm.s32 $execute0_lowered;
	[smem:$0x3FD2] =	sst s25  }
0xac: {  	s6 =	sshll.u32 s26, $0x1;
	_ =	strace $0x80000046;
	[dreg:$0x1] =	wrdreg $0xFFFFFFFF  }
0xad: {  	s28 =	simm.s32 $_size_execute0_lowered;
	s4 =	sadd.s32 s4, s6;
	[dreg:$0x0] =	wrdreg $0x0  }
0xae: {  	s6 =	sshll.u32 s28, $0x1;
	[dreg:$0x2] =	wrdreg s4  }
0xaf: {  	[dreg:$0x3] =	wrdreg s6  }
0xb0: {  	[dreg:$0x4] =	wrdreg $0xC0  }
0xb1: {  	_ =	task [dreg:s8], $0x5FFFF  }
0xb2: {  	[dreg:$0x1] =	wrdreg $0xFFFFFFFF  }
0xb3: {  	[dreg:$0x0] =	wrdreg $0x60  }
0xb4: {  	[dreg:$0x2] =	wrdreg s15  }
0xb5: {  	[dreg:$0x3] =	wrdreg s24  }
0xb6: {  	[dreg:$0x4] =	wrdreg s16  }
0xb7: {  	[dreg:$0x5] =	wrdreg $0x9  }
0xb8: {  	_ =	task.clear_ibuf [dreg:s8], $0x6FFFF;
	_ =	strace $0x90000046  }
0xb9: {  	s29 =	simm.s32 $0x9;
	_ =	strace $0x80000048  }
0xba: {  	_ =	swait.ge [sflag:s29], $0x1  }
0xbb: {  	[sflag:s29] =	ssyncadd.s32 $0xFFFFFFFF  }
0xbc: {  	_ =	strace $0x90000048  }
0xbd: {  	_ =	sfence  }
0xbe: {  	s30 =	sld [smem:$0x0];
	_ =	sdelay $0x2  }
0xbf: {  	s31 =	sshll.u32 s1, $0xD;
	s1 =	sshrl.u32 s1, $0x2  }
0xc0: {  	s3 =	sand.u32 $0x4000, s31;
	s1 =	sadd.s32 s1, s30  }
0xc1: {  	s0 =	sor.u32 s3, s0;
	s1 =	sshll.u32 s1, $0x11  }
0xc2: {  	s0 =	sor.u32 s1, s0  }
0xc3: {  	s0 =	sadd.s32 $0x8F2B, s0  }
0xc4: {  	[sflag:s0] =	ssyncadd.remote.s32 $0x1  }
0xc5: {  	_ =	sfence.sel $0xFFFF  }
0xc6: {  	[dreg:$0x0] =	wrdreg $0xFFFFFFFF;
	(pc) =	sbr.abs _section_cstart, $3  }
0xc7: {  	[dreg:$0x1] =	wrdreg $0xFFFFFFFF  }
0xc8: {  	_ =	task.clear_ibuf [dreg:s8], $0x2FFFF;
	_ =	strace $0x9FFFFFFF  }
0xc9: {  	(tm) =	ssettm $0x7FFFFFFF  }
tec
execute0_lowered:
.L_overlay_start_1:
0x0: {  	(tag) =	ssettag $0x1  }
0x1: {  	s1 =	rddreg [dreg:$0x0]  }
0x2: {  	s4 =	rddreg [dreg:$0x1]  }
0x3: {  	s6 =	rddreg [dreg:$0x2];
	s3 =	srdreg.scid  }
0x4: {  	s0 =	rddreg [dreg:$0x3];
	s2 =	stileid.u32;
	s9 =	simm.s32 $0x80  }
0x5: {  	s10 =	simm.s32 $0x880;
	s11 =	simm.s32 $0xC80;
	s12 =	simm.s32 $0x1480  }
0x6: {  	s13 =	simm.s32 $0x1880;
	s14 =	simm.s32 $0x2080;
	s15 =	simm.s32 $0x2480  }
0x7: {  	s16 =	simm.s32 $0x2C80;
	s17 =	simm.s32 $0x3080;
	s18 =	simm.s32 $0x3880  }
0x8: {  	s19 =	simm.s32 $0x3C80;
	s20 =	simm.s32 $0x4480;
	s21 =	simm.s32 $0x4880  }
0x9: {  	s22 =	simm.s32 $0x5080;
	s23 =	simm.s32 $0x5480;
	s24 =	simm.s32 $0x5C80  }
0xa: {  	s25 =	simm.s32 $0x1;
	s5 =	sand.u32 $0x1, s3;
	s3 =	simm.s32 $0x0  }
0xb: {  	s7 =	sshll.u32 s2, $0x4;
	s8 =	sshll.u32 s5, $0x3;
	s5 =	ssub.s32 $0x2, s5  }
0xc: {  	[smem:$0x7FF] =	sst s3;
	s7 =	sor.u32 s8, s7;
	s31 =	sshrl.u32 s5, $0x1  }
0xd: {  	v2 =	vlaneseq.u32;
	_ =	strace $0x80000047;
	s4 =	sadd.s32 s7, s4;
	s7 =	smul.u32 $0x180, s7  }
0xe: {  	vm0 =	vmmov $0xffff;
	vm1 =	vmmov $0xff;
	v1 =	vshrl.u32 v2, $0x3;
	s8 =	ssub.s32 s5, s31;
	s5 =	sadd.s32 $0x100, s1;
	s4 =	sadd.s32 $0x2600, s4  }
0xf: {  	v0 =	vand.u32 $0x7, v2;
	v2 =	vor.u32 $0x8, v2;
	v1 =	vmul.u32 $0x8, v1;
	s6 =	sadd.s32 s6, s7;
	s7 =	smax.u32 s8, $0x1;
	s8 =	simm.s32 $0x2  }
.LBB2_1:
0x10: {  	[tilespmem:s3], [sflag:$0x2] =	stream.linear.gather [hbm4b:s4+s3], $0x40, $0x38;
	[tilespmem:$0x6080] =	vst v63  }
0x11: {  	_ =	swait.ge [sflag:s8], $0x40  }
0x12: {  	[sflag:s8] =	ssyncset.done $0x0  }
0x13: {  	[sflag:s8] =	ssyncadd.s32 $0xFFFFFFC0  }
0x14: {  	v3 =	vld [tilespmem:$0x0];
	_ =	sdelay $0x4  }
0x15: {  	v4 =	vshrl.u32 v3, $0x3  }
0x16: {  	v4 =	vmul.u32 $0x18, v4  }
0x17: {  	v3 =	vand.u32 $0x7, v3  }
0x18: {  	v3 =	vor.u32 v3, v4  }
0x19: {  	v4 =	vperm.xlane v3, v0;
	_ =	sdelay $0x1  }
0x1a: {  	v4 =	vadd.s32 v1, v4;
	_ =	sdelay $0x1  }
0x1b: {  	v3 =	vperm.xlane v3, v2;
	_ =	sdelay $0x1  }
0x1c: {  	v3 =	vadd.s32 v1, v3  }
0x1d: {  	[tilespmem:s9], [sflag:$0x1] =	stream.indirect_vreg.gather [hbm4b:s1+s3], $0x80, v4, vm0, $0xb8;
	[tilespmem:$0x6080] =	vst v63  }
0x1e: {  	_ = 	snop  }
0x1f: {  	[tilespmem:s10], [sflag:$0x1] =	stream.indirect_vreg.gather [hbm4b:s5+s3], $0x80, v4, vm1, $0xb8;
	[tilespmem:$0x6080] =	vst v63  }
0x20: {  	_ = 	snop  }
0x21: {  	[tilespmem:s11], [sflag:$0x1] =	stream.indirect_vreg.gather [hbm4b:s1+s3], $0x80, v3, vm0, $0xb8;
	[tilespmem:$0x6080] =	vst v63  }
0x22: {  	_ = 	snop  }
0x23: {  	[tilespmem:s12], [sflag:$0x1] =	stream.indirect_vreg.gather [hbm4b:s5+s3], $0x80, v3, vm1, $0xb8;
	[tilespmem:$0x6080] =	vst v63  }
0x24: {  	v3 =	vld [tilespmem:$0x10];
	_ =	sdelay $0x4  }
0x25: {  	v61 =	vshrl.u32 v3, $0x3  }
0x26: {  	v4 =	vmul.u32 $0x18, v61  }
0x27: {  	v3 =	vand.u32 $0x7, v3  }
0x28: {  	v3 =	vor.u32 v3, v4  }
0x29: {  	v4 =	vperm.xlane v3, v0;
	_ =	sdelay $0x1  }
0x2a: {  	v4 =	vadd.s32 v1, v4;
	_ =	sdelay $0x1  }
0x2b: {  	v3 =	vperm.xlane v3, v2;
	_ =	sdelay $0x1  }
0x2c: {  	v3 =	vadd.s32 v1, v3  }
0x2d: {  	[tilespmem:s13], [sflag:$0x1] =	stream.indirect_vreg.gather [hbm4b:s1+s3], $0x80, v4, vm0, $0xb8;
	[tilespmem:$0x6080] =	vst v63  }
0x2e: {  	_ = 	snop  }
0x2f: {  	[tilespmem:s14], [sflag:$0x1] =	stream.indirect_vreg.gather [hbm4b:s5+s3], $0x80, v4, vm1, $0xb8;
	[tilespmem:$0x6080] =	vst v63  }
0x30: {  	_ = 	snop  }
0x31: {  	[tilespmem:s15], [sflag:$0x1] =	stream.indirect_vreg.gather [hbm4b:s1+s3], $0x80, v3, vm0, $0xb8;
	[tilespmem:$0x6080] =	vst v63  }
0x32: {  	_ = 	snop  }
0x33: {  	[tilespmem:s16], [sflag:$0x1] =	stream.indirect_vreg.gather [hbm4b:s5+s3], $0x80, v3, vm1, $0xb8;
	[tilespmem:$0x6080] =	vst v63  }
0x34: {  	v3 =	vld [tilespmem:$0x20];
	_ =	sdelay $0x4  }
0x35: {  	v62 =	vshrl.u32 v3, $0x3  }
0x36: {  	v4 =	vmul.u32 $0x18, v62  }
0x37: {  	v3 =	vand.u32 $0x7, v3  }
0x38: {  	v3 =	vor.u32 v3, v4  }
0x39: {  	v4 =	vperm.xlane v3, v0;
	_ =	sdelay $0x1  }
0x3a: {  	v4 =	vadd.s32 v1, v4;
	_ =	sdelay $0x1  }
0x3b: {  	v3 =	vperm.xlane v3, v2;
	_ =	sdelay $0x1  }
0x3c: {  	v3 =	vadd.s32 v1, v3  }
0x3d: {  	[tilespmem:s17], [sflag:$0x1] =	stream.indirect_vreg.gather [hbm4b:s1+s3], $0x80, v4, vm0, $0xb8;
	[tilespmem:$0x6080] =	vst v63  }
0x3e: {  	_ = 	snop  }
0x3f: {  	[tilespmem:s18], [sflag:$0x1] =	stream.indirect_vreg.gather [hbm4b:s5+s3], $0x80, v4, vm1, $0xb8;
	[tilespmem:$0x6080] =	vst v63  }
0x40: {  	_ = 	snop  }
0x41: {  	[tilespmem:s19], [sflag:$0x1] =	stream.indirect_vreg.gather [hbm4b:s1+s3], $0x80, v3, vm0, $0xb8;
	[tilespmem:$0x6080] =	vst v63  }
0x42: {  	_ = 	snop  }
0x43: {  	[tilespmem:s20], [sflag:$0x1] =	stream.indirect_vreg.gather [hbm4b:s5+s3], $0x80, v3, vm1, $0xb8;
	[tilespmem:$0x6080] =	vst v63  }
0x44: {  	v3 =	vld [tilespmem:$0x30];
	_ =	sdelay $0x4  }
0x45: {  	v63 =	vshrl.u32 v3, $0x3  }
0x46: {  	v4 =	vmul.u32 $0x18, v63  }
0x47: {  	v3 =	vand.u32 $0x7, v3  }
0x48: {  	v3 =	vor.u32 v3, v4  }
0x49: {  	v4 =	vperm.xlane v3, v0;
	_ =	sdelay $0x1  }
0x4a: {  	v4 =	vadd.s32 v1, v4;
	_ =	sdelay $0x1  }
0x4b: {  	v3 =	vperm.xlane v3, v2;
	_ =	sdelay $0x1  }
0x4c: {  	v3 =	vadd.s32 v1, v3  }
0x4d: {  	[tilespmem:s21], [sflag:$0x1] =	stream.indirect_vreg.gather [hbm4b:s1+s3], $0x80, v4, vm0, $0xb8;
	[tilespmem:$0x6080] =	vst v63  }
0x4e: {  	_ = 	snop  }
0x4f: {  	[tilespmem:s22], [sflag:$0x1] =	stream.indirect_vreg.gather [hbm4b:s5+s3], $0x80, v4, vm1, $0xb8;
	[tilespmem:$0x6080] =	vst v63  }
0x50: {  	_ = 	snop  }
0x51: {  	[tilespmem:s23], [sflag:$0x1] =	stream.indirect_vreg.gather [hbm4b:s1+s3], $0x80, v3, vm0, $0xb8;
	[tilespmem:$0x6080] =	vst v63  }
0x52: {  	_ = 	snop  }
0x53: {  	[tilespmem:s24], [sflag:$0x1] =	stream.indirect_vreg.gather [hbm4b:s5+s3], $0x80, v3, vm1, $0xb8;
	[tilespmem:$0x6080] =	vst v63  }
0x54: {  	_ =	swait.ge [sflag:s25], $0x6000  }
0x55: {  	p0 =	sne.s32 s7, $0x1;
	[sflag:s25] =	ssyncset.done $0x0  }
.Ltmp0:
0x56: {  	[sflag:s25] =	ssyncadd.s32 $0xFFFFA000;
	(pc) =	sbr.rel @p0 .LBB2_1-.Ltmp0, $4  }
0x57: {  	[hbm4b:s6+s3] =	stream.linear.scatter [tilespmem:s9], [sflag:$0x2], $0x6000, $0x38;
	[tilespmem:$0x6080] =	vst v63  }
0x58: {  	_ =	swait.ge [sflag:s8], $0x6000  }
0x59: {  	[sflag:s8] =	ssyncset.done $0x0  }
0x5a: {  	s7 =	sadd.s32 $0xFFFFFFFF, s7;
	[sflag:s8] =	ssyncadd.s32 $0xFFFFA000  }
0x5b: {  	_ =	sfence.sel $0x180000  }
0x5c: {  	[bflag:$0x0] =	sbarrier.arrive $0xFFFF  }
0x5d: {  	p0 =	sne.s32 s2, $0x0;
	_ =	strace $0x90000047  }
0x5e: {  	s0 =	sadd.s32 @!p0 $0x100000, s0;
	[bflag:$0x2] =	sbarrier.arrive $0xFFFF  }
0x5f: {  	[sflag:s0] =	ssyncadd.tile.s32 @!p0 $0x1;
	_ =	shalt  }
.Lfunc_end2:
_tile_overlayer_lowered:
.L_overlay_start_2:
0x60: {  	(tag) =	ssettag $0x2  }
0x61: {  	s0 =	rddreg [dreg:$0x0];
	s2 =	stileid.u32  }
0x62: {  	s1 =	rddreg [dreg:$0x1];
	p0 =	sne.s32 s2, $0x0  }
0x63: {  	s3 =	rddreg [dreg:$0x2];
	[bflag:$0x3] =	sbarrier.arrive $0xFFFF;
	s2 =	simm.s32 @!p0 $0x1C02  }
0x64: {  	[timem:s3], [sflag:s2] =	dma.local @!p0 [hbm:s0], s1  }
0x65: {  	s0 =	simm.s32 @!p0 $0x2  }
0x66: {  	_ =	swait.ge @!p0 [sflag:s0], s1  }
0x67: {  	s1 =	ssub.s32 @!p0 $0x0, s1;
	[sflag:s0] =	ssyncset.done @!p0 $0x0  }
0x68: {  	[sflag:s0] =	ssyncadd.s32 @!p0 s1  }
0x69: {  	[bflag:$0x3] =	sbarrier.arrive $0xFFFF  }
0x6a: {  	_ =	shalt  }

// kernel: kernel.14.cloned.1.call-start
scs
__scs_entry_jumppad:
0x0: {  	(pc) =	sbr.rel $0x88, $3  }
0x1: {  	(tag) =	ssettag $0x0;
	lr =	simm.s32 $0x1  }
0x2: {  	[smem:$0x3F9B] =	sst lr;
	_ =	strace $0xD0000000  }
0x3: {  	_ = 	snop  }
0x4: {  	_ = 	snop  }
0x5: {  	_ = 	snop  }
0x6: {  	_ = 	snop  }
0x7: {  	_ = 	snop  }
__scs_overlays_trampoline_lowered:
0x8: {  	[smem:$0x3FAA] =	sst s0  }
0x9: {  	[smem:$0x3FAB] =	sst s1  }
0xa: {  	[smem:$0x3FAC] =	sst s2  }
0xb: {  	[smem:$0x3FAD] =	sst s3  }
0xc: {  	[smem:$0x3FAE] =	sst s4  }
0xd: {  	[smem:$0x3FAF] =	sst s5  }
0xe: {  	[smem:$0x3FB0] =	sst s6  }
0xf: {  	[smem:$0x3FB1] =	sst s7  }
0x10: {  	[smem:$0x3FB2] =	sst s8  }
0x11: {  	[smem:$0x3FB3] =	sst s9;
	s0 =	simm.s32 @!p0 $0x0  }
0x12: {  	s1 =	sld [smem:$0x3F99];
	s0 =	simm.s32 @p0 $0x1  }
0x13: {  	[smem:$0x3FB4] =	sst s0;
	s0 =	simm.s32 @!p1 $0x0  }
0x14: {  	s2 =	sld [smem:$0x3F98];
	s0 =	simm.s32 @p1 $0x1  }
0x15: {  	[smem:$0x3FB5] =	sst s0;
	s0 =	simm.s32 @!p2 $0x0  }
0x16: {  	s3 =	sld [smem:$0x3FDB];
	s0 =	simm.s32 @p2 $0x1  }
0x17: {  	s4 =	simm.s32 $0x1BF5;
	[smem:$0x3FB7] =	sst s0  }
0x18: {  	s0 =	sld [smem:$0x3F9A];
	_ =	swait.ge [sflag:s4], $0x0  }
0x19: {  	s7 =	sld [smem:$0x3F9B]  }
0x1a: {  	s8 =	sadd.s32 $0xFFFFE003, lr  }
0x1b: {  	s9 =	sadd.s32 $0xFFFFFEF7, lr;
	s5 =	simm.s32 $0xFFFFFFFF;
	p2 =	slt.u32 s8, $0xFFFFF086  }
0x1c: {  	p1 =	slt.u32 s9, $0xF7A;
	s5 =	simm.s32 @!p2 $0x0  }
0x1d: {  	s5 =	simm.s32 @p1 $0x1;
	p0 =	seq.s32 s7, s2  }
0x1e: {  	s7 =	smul.u32 @!p0 $0xF7A, s2;
	p2 =	seq.s32 @!p0 s5, $0x0  }
0x1f: {  	s9 =	smul.u32 $0xF7A, s1;
	s8 =	simm.s32 @!p0 $0x1BF5;
	p2 =	por !p2, p0  }
0x20: {  	[sflag:s8] =	ssyncset.s32 @!p0 $0xFFFFF086;
	s6 =	sadd.s32 @!p0 s3, s7;
	s7 =	simm.s32 @!p0 $0x108  }
0x21: {  	s3 =	sadd.s32 s3, s9;
	s6 =	sadd.s32 @!p0 $0x88, s6;
	s7 =	simm.s32 @p2 $0x1082  }
0x22: {  	[simem:s7], [sflag:s8] =	dma.local @!p0 [hbm:s6], $0xF7A  }
0x23: {  	s9 =	sor.u32 $0xD0000000, s2;
	s6 =	simm.s32 $0x108;
	_ =	swait.ge @!p0 [sflag:s8], $0x0  }
0x24: {  	s3 =	sadd.s32 $0x88, s3;
	s6 =	simm.s32 @!p1 $0x1082;
	[sflag:s4] =	ssyncset.s32 $0xFFFFF086  }
0x25: {  	[simem:s6], [sflag:s4] =	dma.local [hbm:s3], $0xF7A  }
0x26: {  	[smem:$0x3F9B] =	sst s1;
	(tag) =	ssettag s2;
	_ =	strace s9  }
0x27: {  	s1 =	sld [smem:$0x3FAB]  }
0x28: {  	s2 =	sld [smem:$0x3FAC]  }
0x29: {  	s4 =	sld [smem:$0x3FAE]  }
0x2a: {  	p0 =	seq.s32 s5, $0x0;
	s5 =	sld [smem:$0x3FAF]  }
0x2b: {  	s6 =	sld [smem:$0x3FB0]  }
0x2c: {  	s7 =	sld [smem:$0x3FB1]  }
0x2d: {  	s3 =	simm.s32 $0x108;
	s8 =	sld [smem:$0x3FB2]  }
0x2e: {  	s3 =	simm.s32 @!p0 $0x1082;
	s9 =	sld [smem:$0x3FB3]  }
0x2f: {  	lr =	sadd.s32 s0, s3;
	s0 =	sld [smem:$0x3FAA]  }
0x30: {  	s3 =	sld [smem:$0x3FAD]  }
0x31: {  	[smem:$0x3FB6] =	sst s10  }
0x32: {  	s10 =	sld [smem:$0x3FB4];
	_ =	sdelay $0x3  }
0x33: {  	p0 =	seq.s32 s10, $0x1;
	s10 =	sld [smem:$0x3FB6];
	_ =	sdelay $0x3  }
0x34: {  	[smem:$0x3FB6] =	sst s10  }
0x35: {  	s10 =	sld [smem:$0x3FB5];
	_ =	sdelay $0x3  }
0x36: {  	p1 =	seq.s32 s10, $0x1;
	s10 =	sld [smem:$0x3FB6];
	_ =	sdelay $0x3  }
0x37: {  	[smem:$0x3FB6] =	sst s10  }
0x38: {  	s10 =	sld [smem:$0x3FB7]  }
0x39: {  	_ = 	snop;
	(pc) =	sbr.ind lr, $3  }
0x3a: {  	_ = 	snop  }
0x3b: {  	_ = 	snop  }
0x3c: {  	p2 =	seq.s32 s10, $0x1;
	s10 =	sld [smem:$0x3FB6]  }
0x3d: {  	_ =	shalt  }
0x3e: {  	_ =	shalt  }
0x3f: {  	_ =	shalt  }
0x40: {  	_ =	shalt  }
0x41: {  	_ =	shalt  }
0x42: {  	_ =	shalt  }
0x43: {  	_ =	shalt  }
0x44: {  	_ =	shalt  }
0x45: {  	_ =	shalt  }
0x46: {  	_ =	shalt  }
0x47: {  	_ =	shalt  }
0x48: {  	_ =	shalt  }
0x49: {  	_ =	shalt  }
0x4a: {  	_ =	shalt  }
0x4b: {  	_ =	shalt  }
0x4c: {  	_ =	shalt  }
0x4d: {  	_ =	shalt  }
0x4e: {  	_ =	shalt  }
0x4f: {  	_ =	shalt  }
0x50: {  	_ =	shalt  }
0x51: {  	_ =	shalt  }
0x52: {  	_ =	shalt  }
0x53: {  	_ =	shalt  }
0x54: {  	_ =	shalt  }
0x55: {  	_ =	shalt  }
0x56: {  	_ =	shalt  }
0x57: {  	_ =	shalt  }
0x58: {  	_ =	shalt  }
0x59: {  	_ =	shalt  }
0x5a: {  	_ =	shalt  }
0x5b: {  	_ =	shalt  }
0x5c: {  	_ =	shalt  }
0x5d: {  	_ =	shalt  }
0x5e: {  	_ =	shalt  }
0x5f: {  	_ =	shalt  }
0x60: {  	_ =	shalt  }
0x61: {  	_ =	shalt  }
0x62: {  	_ =	shalt  }
0x63: {  	_ =	shalt  }
0x64: {  	_ =	shalt  }
0x65: {  	_ =	shalt  }
0x66: {  	_ =	shalt  }
0x67: {  	_ =	shalt  }
0x68: {  	_ =	shalt  }
0x69: {  	_ =	shalt  }
0x6a: {  	_ =	shalt  }
0x6b: {  	_ =	shalt  }
0x6c: {  	_ =	shalt  }
0x6d: {  	_ =	shalt  }
0x6e: {  	_ =	shalt  }
0x6f: {  	_ =	shalt  }
0x70: {  	_ =	shalt  }
0x71: {  	_ =	shalt  }
0x72: {  	_ =	shalt  }
0x73: {  	_ =	shalt  }
0x74: {  	_ =	shalt  }
0x75: {  	_ =	shalt  }
0x76: {  	_ =	shalt  }
0x77: {  	_ =	shalt  }
0x78: {  	_ =	shalt  }
0x79: {  	_ =	shalt  }
0x7a: {  	_ =	shalt  }
0x7b: {  	_ =	shalt  }
0x7c: {  	_ =	shalt  }
0x7d: {  	_ =	shalt  }
0x7e: {  	_ =	shalt  }
0x7f: {  	_ =	shalt  }
0x80: {  	_ =	shalt  }
0x81: {  	_ =	shalt  }
0x82: {  	_ =	shalt  }
0x83: {  	_ =	shalt  }
0x84: {  	_ =	shalt  }
0x85: {  	_ =	shalt  }
0x86: {  	_ =	shalt  }
0x87: {  	_ =	shalt  }
.Lfunc_end0:
.L_simem_size_0:
called_computation.1_lowered:
.L_overlay_start_0:
0x88: {  	s2 =	sld [smem:$0x3FD9]  }
0x89: {  	s3 =	sld [smem:$0x3FFE];
	_ =	sdelay $0x1  }
0x8a: {  	s1 =	srdreg.scid  }
0x8b: {  	s0 =	sand.u32 $0x1, s1  }
0x8c: {  	s15 =	sshll.u32 s0, $0xA;
	s2 =	sadd.s32 s3, s2  }
0x8d: {  	s2 =	sadd.s32 s2, s15  }
0x8e: {  	[smem:$0x3FC2] =	sst s2  }
0x8f: {  	_ = 	snop  }
0x90: {  	s16 =	sld [smem:$0x3FD0];
	_ =	sdelay $0x2  }
0x91: {  	s4 =	simm.s32 $0xC;
	s5 =	simm.s32 $0x10;
	s2 =	sld [smem:$0x3FC5]  }
0x92: {  	[smem:s5], [sflag:s4] =	dma.local [hbm:s16], $0x1  }
0x93: {  	_ =	swait.eq [sflag:s4], $0x1  }
0x94: {  	[sflag:s4] =	ssyncset.done $0x0  }
0x95: {  	[sflag:s4] =	ssyncadd.s32 $0xFFFFFFFF  }
0x96: {  	s17 =	sld [smem:$0x15];
	(tm) =	ssettm $0x1  }
0x97: {  	s18 =	sld [smem:$0x3FFB];
	_ =	sdelay $0x3  }
0x98: {  	_ =	strace s18  }
0x99: {  	s3 =	sld [smem:$0x3FFC];
	_ =	sdelay $0x3  }
0x9a: {  	_ =	strace s3  }
0x9b: {  	s3 =	sld [smem:$0x3FFD];
	_ =	sdelay $0x3  }
0x9c: {  	_ =	strace s3  }
0x9d: {  	_ =	strace $0x8FFFFFFF  }
0x9e: {  	s19 =	sld [smem:$0x3FDB];
	_ =	sdelay $0x1  }
0x9f: {  	s20 =	simm.s32 $_scs_section_size  }
0xa0: {  	s6 =	simm.s32 $_size__tile_overlayer_lowered;
	s7 =	simm.s32 $_tile_overlayer_lowered  }
0xa1: {  	s8 =	simm.s32 $0x1BFF;
	s21 =	sshll.u32 s7, $0x1;
	s5 =	sadd.s32 s20, s19  }
0xa2: {  	s22 =	simm.s32 $0x0;
	s6 =	sshll.u32 s6, $0x1;
	s7 =	sadd.s32 s21, s5  }
0xa3: {  	[timem:s22], [sflag:s8] =	dma.local [hbm:s7], s6  }
0xa4: {  	_ =	swait.ge [sflag:s8], s6  }
0xa5: {  	s6 =	ssub.s32 $0x0, s6;
	[sflag:s8] =	ssyncset.done $0x0  }
0xa6: {  	[sflag:s8] =	ssyncadd.s32 s6;
	_ =	sdelay $0x1  }
0xa7: {  	s23 =	simm.s32 $0x1B8B  }
0xa8: {  	_ =	swait.ge [sflag:s23], $0x1  }
0xa9: {  	[sflag:s23] =	ssyncset.done $0x0  }
0xaa: {  	[sflag:s23] =	ssyncadd.s32 $0xFFFFFFFF  }
0xab: {  	s6 =	sld [smem:$0x0]  }
0xac: {  	s7 =	sand.u32 $0xFFFFFFFE, s1  }
0xad: {  	p0 =	sne.s32 s1, s7  }
0xae: {  	s7 =	sshll.u32 @p0 s7, $0xE  }
0xaf: {  	s7 =	sadd.s32 @p0 $0x11B8D, s7;
	s8 =	sshll.u32 @p0 s6, $0x11  }
0xb0: {  	s7 =	sor.u32 @p0 s8, s7  }
0xb1: {  	[sflag:s7] =	ssyncadd.remote.s32 @p0 $0x1;
	_ =	sdelay $0x1  }
0xb2: {  	s7 =	simm.s32 @p0 $0x1B8D  }
0xb3: {  	_ =	swait.eq @p0 [sflag:s7], $0x1  }
0xb4: {  	[sflag:s7] =	ssyncadd.s32 @p0 $0xFFFFFFFF  }
0xb5: {  	s8 =	sshll.u32 @!p0 s1, $0xE  }
0xb6: {  	s8 =	sor.u32 @!p0 $0x4000, s8;
	s7 =	simm.s32 @!p0 $0x1B8D  }
0xb7: {  	s6 =	sshll.u32 @!p0 s6, $0x11;
	s8 =	sadd.s32 @!p0 $0x11B8D, s8;
	_ =	swait.eq @!p0 [sflag:s7], $0x1  }
0xb8: {  	s6 =	sor.u32 @!p0 s6, s8;
	[sflag:s7] =	ssyncadd.s32 @!p0 $0xFFFFFFFF  }
0xb9: {  	s25 =	simm.s32 $0x1B8E;
	s24 =	sld [smem:$0x3FFE];
	[sflag:s6] =	ssyncadd.remote.s32 @!p0 $0x1  }
0xba: {  	s26 =	simm.s32 $execute0_lowered;
	[smem:$0x3FD2] =	sst s25  }
0xbb: {  	s7 =	sshll.u32 s26, $0x1;
	_ =	strace $0x80000049;
	[dreg:$0x1] =	wrdreg $0xFFFFFFFF  }
0xbc: {  	s28 =	simm.s32 $_size_execute0_lowered;
	s5 =	sadd.s32 s5, s7;
	[dreg:$0x0] =	wrdreg $0x0  }
0xbd: {  	s7 =	sshll.u32 s28, $0x1;
	[dreg:$0x2] =	wrdreg s5  }
0xbe: {  	[dreg:$0x3] =	wrdreg s7  }
0xbf: {  	[dreg:$0x4] =	wrdreg $0xC0  }
0xc0: {  	_ =	task [dreg:s22], $0x5FFFF  }
0xc1: {  	[dreg:$0x1] =	wrdreg $0xFFFFFFFF  }
0xc2: {  	[dreg:$0x0] =	wrdreg $0x60  }
0xc3: {  	[dreg:$0x2] =	wrdreg s2  }
0xc4: {  	[dreg:$0x3] =	wrdreg s24  }
0xc5: {  	[dreg:$0x4] =	wrdreg s17  }
0xc6: {  	[dreg:$0x5] =	wrdreg $0xA  }
0xc7: {  	_ =	task.clear_ibuf [dreg:s22], $0x6FFFF;
	_ =	strace $0x90000049  }
0xc8: {  	s29 =	simm.s32 $0xA;
	_ =	strace $0x8000004B  }
0xc9: {  	_ =	swait.ge [sflag:s29], $0x1  }
0xca: {  	[sflag:s29] =	ssyncadd.s32 $0xFFFFFFFF  }
0xcb: {  	_ =	strace $0x9000004B  }
0xcc: {  	_ =	sfence  }
0xcd: {  	s30 =	sld [smem:$0x0];
	_ =	sdelay $0x2  }
0xce: {  	s31 =	sshll.u32 s1, $0xD;
	s1 =	sshrl.u32 s1, $0x2  }
0xcf: {  	s4 =	sand.u32 $0x4000, s31;
	s1 =	sadd.s32 s1, s30  }
0xd0: {  	s0 =	sor.u32 s4, s0;
	s1 =	sshll.u32 s1, $0x11  }
0xd1: {  	s0 =	sor.u32 s1, s0  }
0xd2: {  	s0 =	sadd.s32 $0x8F2B, s0  }
0xd3: {  	[sflag:s0] =	ssyncadd.remote.s32 $0x1  }
0xd4: {  	_ =	sfence.sel $0xFFFF  }
0xd5: {  	[dreg:$0x0] =	wrdreg $0xFFFFFFFF;
	(pc) =	sbr.abs _section_cstart, $3  }
0xd6: {  	[dreg:$0x1] =	wrdreg $0xFFFFFFFF  }
0xd7: {  	_ =	task.clear_ibuf [dreg:s22], $0x2FFFF;
	_ =	strace $0x9FFFFFFF  }
0xd8: {  	(tm) =	ssettm $0x7FFFFFFF  }
0xd9: {  	_ =	shalt  }
tec
execute0_lowered:
.L_overlay_start_1:
0x0: {  	(tag) =	ssettag $0x1  }
0x1: {  	s1 =	rddreg [dreg:$0x0]  }
0x2: {  	s4 =	rddreg [dreg:$0x1]  }
0x3: {  	s5 =	rddreg [dreg:$0x2];
	s3 =	simm.s32 $0x0  }
0x4: {  	s9 =	simm.s32 $0x900;
	[smem:$0x7FF] =	sst s3  }
0x5: {  	s10 =	simm.s32 $0xD00;
	_ =	strace $0x8000004A;
	[dreg:$0x6] =	wrdreg s9  }
0x6: {  	s11 =	simm.s32 $0x1500;
	[dreg:$0x7] =	wrdreg s10  }
0x7: {  	s12 =	simm.s32 $0x1900;
	[dreg:$0x8] =	wrdreg s11  }
0x8: {  	s13 =	simm.s32 $0x2100;
	[dreg:$0x9] =	wrdreg s12  }
0x9: {  	s14 =	simm.s32 $0x2500;
	[dreg:$0xa] =	wrdreg s13  }
0xa: {  	s15 =	simm.s32 $0x2D00;
	[dreg:$0xb] =	wrdreg s14  }
0xb: {  	s16 =	simm.s32 $0x3100;
	[dreg:$0xc] =	wrdreg s15  }
0xc: {  	s17 =	simm.s32 $0x3900;
	[dreg:$0xd] =	wrdreg s16  }
0xd: {  	s18 =	simm.s32 $0x3D00;
	[dreg:$0xe] =	wrdreg s17  }
0xe: {  	s19 =	simm.s32 $0x4500;
	[dreg:$0xf] =	wrdreg s18  }
0xf: {  	s20 =	simm.s32 $0x4900;
	[dreg:$0x10] =	wrdreg s19  }
0x10: {  	s21 =	simm.s32 $0x5100;
	[dreg:$0x11] =	wrdreg s20  }
0x11: {  	s22 =	simm.s32 $0x5500;
	[dreg:$0x12] =	wrdreg s21  }
0x12: {  	s23 =	simm.s32 $0x5D00;
	[dreg:$0x13] =	wrdreg s22  }
0x13: {  	s24 =	simm.s32 $0x6100;
	[dreg:$0x14] =	wrdreg s23  }
0x14: {  	s25 =	simm.s32 $0x6900;
	[dreg:$0x15] =	wrdreg s24  }
0x15: {  	s0 =	stileid.u32;
	s26 =	simm.s32 $0x6D00;
	[dreg:$0x16] =	wrdreg s25  }
0x16: {  	s6 =	sshll.u32 s0, $0x6;
	s0 =	simm.s32 $0x7500;
	[dreg:$0x17] =	wrdreg s26  }
0x17: {  	[dreg:$0x18] =	wrdreg s0;
	s9 =	simm.s32 $0x9100  }
0x18: {  	s10 =	simm.s32 $0x9900;
	[dreg:$0x1d] =	wrdreg s9  }
0x19: {  	s11 =	simm.s32 $0x9D00;
	[dreg:$0x1e] =	wrdreg s10  }
0x1a: {  	s12 =	simm.s32 $0xA500;
	[dreg:$0x1f] =	wrdreg s11  }
0x1b: {  	s13 =	simm.s32 $0xA900;
	[smem:$0x7F0] =	sst s12  }
0x1c: {  	s14 =	simm.s32 $0xB100;
	[smem:$0x7F1] =	sst s13  }
0x1d: {  	s15 =	simm.s32 $0xB500;
	[smem:$0x7F2] =	sst s14  }
0x1e: {  	s2 =	srdreg.scid;
	s16 =	simm.s32 $0xBD00;
	[smem:$0x7F3] =	sst s15  }
0x1f: {  	s28 =	simm.s32 $0x16900;
	s17 =	simm.s32 $0xC100;
	[smem:$0x7F4] =	sst s16  }
0x20: {  	s29 =	simm.s32 $0x17100;
	s18 =	simm.s32 $0xC900;
	[smem:$0x7F5] =	sst s17  }
0x21: {  	s30 =	simm.s32 $0x17500;
	s19 =	simm.s32 $0xCD00;
	[smem:$0x7F6] =	sst s18  }
0x22: {  	s31 =	simm.s32 $0x17D00;
	s20 =	simm.s32 $0xD500;
	[smem:$0x7F7] =	sst s19  }
0x23: {  	s2 =	sand.u32 $0x1, s2;
	s21 =	simm.s32 $0xD900;
	[smem:$0x7F8] =	sst s20  }
0x24: {  	s7 =	sshll.u32 s2, $0x5;
	s23 =	simm.s32 $0xE100;
	[smem:$0x7F9] =	sst s21  }
0x25: {  	s2 =	ssub.s32 $0x2, s2;
	s24 =	simm.s32 $0xE500;
	[smem:$0x7FA] =	sst s23  }
0x26: {  	s25 =	simm.s32 $0xED00;
	s26 =	simm.s32 $0xF100;
	[smem:$0x7FB] =	sst s24  }
0x27: {  	s6 =	sor.u32 s7, s6;
	s7 =	simm.s32 $0x8500;
	[smem:$0x7FC] =	sst s25  }
0x28: {  	s22 =	sshrl.u32 s2, $0x1;
	[smem:$0x7FD] =	sst s26;
	s9 =	simm.s32 $0xFD00  }
0x29: {  	s10 =	simm.s32 $0x10500;
	s11 =	simm.s32 $0x10900;
	s12 =	simm.s32 $0x11100  }
0x2a: {  	s13 =	simm.s32 $0x11500;
	s14 =	simm.s32 $0x11D00;
	s15 =	simm.s32 $0x12100  }
0x2b: {  	s16 =	simm.s32 $0x12900;
	s17 =	simm.s32 $0x12D00;
	s18 =	simm.s32 $0x13500  }
0x2c: {  	s19 =	simm.s32 $0x13900;
	s20 =	simm.s32 $0x14100;
	s21 =	simm.s32 $0x14500  }
0x2d: {  	s23 =	simm.s32 $0x15100;
	s24 =	simm.s32 $0x15900;
	s25 =	simm.s32 $0x15D00  }
0x2e: {  	s26 =	simm.s32 $0x16500;
	s4 =	sadd.s32 s6, s4;
	s6 =	smul.u32 $0x180, s6  }
0x2f: {  	[dreg:$0x1b] =	wrdreg s7;
	s2 =	ssub.s32 s2, s22;
	s4 =	sadd.s32 $0x2800, s4  }
0x30: {  	s7 =	simm.s32 $0x100;
	[dreg:$0x4] =	wrdreg s4;
	s8 =	sadd.s32 s5, s6  }
0x31: {  	s22 =	simm.s32 $0x14D00;
	s5 =	simm.s32 $0x7900;
	[dreg:$0x5] =	wrdreg s8  }
0x32: {  	v2 =	vlaneseq.u32;
	s6 =	simm.s32 $0x8100;
	s4 =	sadd.s32 $0x100, s1;
	[dreg:$0x19] =	wrdreg s5  }
0x33: {  	vm0 =	vmmov $0xffff;
	vm1 =	vmmov $0xff;
	v1 =	vshrl.u32 v2, $0x3;
	[dreg:$0x1a] =	wrdreg s6;
	s8 =	simm.s32 $0x8D00;
	s5 =	smax.u32 s2, $0x1  }
0x34: {  	v0 =	vand.u32 $0x7, v2;
	v2 =	vor.u32 $0x8, v2;
	v1 =	vmul.u32 $0x8, v1;
	s6 =	simm.s32 $0x2;
	s2 =	simm.s32 $0x1;
	[dreg:$0x1c] =	wrdreg s8  }
.LBB2_1:
0x35: {  	s0 =	rddreg [dreg:$0x4]  }
0x36: {  	[tilespmem:s3], [sflag:$0x2] =	stream.linear.gather [hbm4b:s0+s3], $0x100, $0x38;
	[tilespmem:$0x18100] =	vst v63  }
0x37: {  	_ =	swait.ge [sflag:s6], $0x100  }
0x38: {  	[sflag:s6] =	ssyncset.done $0x0  }
0x39: {  	[sflag:s6] =	ssyncadd.s32 $0xFFFFFF00  }
0x3a: {  	v3 =	vld [tilespmem:$0x0];
	_ =	sdelay $0x4  }
0x3b: {  	v4 =	vshrl.u32 v3, $0x3  }
0x3c: {  	v4 =	vmul.u32 $0x18, v4  }
0x3d: {  	v3 =	vand.u32 $0x7, v3  }
0x3e: {  	v3 =	vor.u32 v3, v4  }
0x3f: {  	v4 =	vperm.xlane v3, v0;
	_ =	sdelay $0x1  }
0x40: {  	v4 =	vadd.s32 v1, v4;
	_ =	sdelay $0x1  }
0x41: {  	v3 =	vperm.xlane v3, v2;
	_ =	sdelay $0x1  }
0x42: {  	v3 =	vadd.s32 v1, v3  }
0x43: {  	[tilespmem:s7], [sflag:$0x1] =	stream.indirect_vreg.gather [hbm4b:s1+s3], $0x80, v4, vm0, $0xb8;
	[tilespmem:$0x18100] =	vst v63  }
0x44: {  	s0 =	rddreg [dreg:$0x6]  }
0x45: {  	[tilespmem:s0], [sflag:$0x1] =	stream.indirect_vreg.gather [hbm4b:s4+s3], $0x80, v4, vm1, $0xb8;
	[tilespmem:$0x18100] =	vst v63  }
0x46: {  	s8 =	rddreg [dreg:$0x7]  }
0x47: {  	[tilespmem:s8], [sflag:$0x1] =	stream.indirect_vreg.gather [hbm4b:s1+s3], $0x80, v3, vm0, $0xb8;
	[tilespmem:$0x18100] =	vst v63  }
0x48: {  	s0 =	rddreg [dreg:$0x8]  }
0x49: {  	[tilespmem:s0], [sflag:$0x1] =	stream.indirect_vreg.gather [hbm4b:s4+s3], $0x80, v3, vm1, $0xb8;
	[tilespmem:$0x18100] =	vst v63  }
0x4a: {  	v3 =	vld [tilespmem:$0x10];
	_ =	sdelay $0x4  }
0x4b: {  	v49 =	vshrl.u32 v3, $0x3  }
0x4c: {  	v4 =	vmul.u32 $0x18, v49  }
0x4d: {  	v3 =	vand.u32 $0x7, v3  }
0x4e: {  	v3 =	vor.u32 v3, v4  }
0x4f: {  	v4 =	vperm.xlane v3, v0;
	_ =	sdelay $0x1  }
0x50: {  	v4 =	vadd.s32 v1, v4;
	_ =	sdelay $0x1  }
0x51: {  	v3 =	vperm.xlane v3, v2;
	_ =	sdelay $0x1  }
0x52: {  	s0 =	rddreg [dreg:$0x9];
	v3 =	vadd.s32 v1, v3  }
0x53: {  	[tilespmem:s0], [sflag:$0x1] =	stream.indirect_vreg.gather [hbm4b:s1+s3], $0x80, v4, vm0, $0xb8;
	[tilespmem:$0x18100] =	vst v63  }
0x54: {  	s8 =	rddreg [dreg:$0xa]  }
0x55: {  	[tilespmem:s8], [sflag:$0x1] =	stream.indirect_vreg.gather [hbm4b:s4+s3], $0x80, v4, vm1, $0xb8;
	[tilespmem:$0x18100] =	vst v63  }
0x56: {  	s0 =	rddreg [dreg:$0xb]  }
0x57: {  	[tilespmem:s0], [sflag:$0x1] =	stream.indirect_vreg.gather [hbm4b:s1+s3], $0x80, v3, vm0, $0xb8;
	[tilespmem:$0x18100] =	vst v63  }
0x58: {  	s8 =	rddreg [dreg:$0xc]  }
0x59: {  	[tilespmem:s8], [sflag:$0x1] =	stream.indirect_vreg.gather [hbm4b:s4+s3], $0x80, v3, vm1, $0xb8;
	[tilespmem:$0x18100] =	vst v63  }
0x5a: {  	v3 =	vld [tilespmem:$0x20];
	_ =	sdelay $0x4  }
0x5b: {  	v50 =	vshrl.u32 v3, $0x3  }
0x5c: {  	v4 =	vmul.u32 $0x18, v50  }
0x5d: {  	v3 =	vand.u32 $0x7, v3  }
0x5e: {  	v3 =	vor.u32 v3, v4  }
0x5f: {  	v4 =	vperm.xlane v3, v0;
	_ =	sdelay $0x1  }
0x60: {  	v4 =	vadd.s32 v1, v4;
	_ =	sdelay $0x1  }
0x61: {  	v3 =	vperm.xlane v3, v2;
	_ =	sdelay $0x1  }
0x62: {  	s0 =	rddreg [dreg:$0xd];
	v3 =	vadd.s32 v1, v3  }
0x63: {  	[tilespmem:s0], [sflag:$0x1] =	stream.indirect_vreg.gather [hbm4b:s1+s3], $0x80, v4, vm0, $0xb8;
	[tilespmem:$0x18100] =	vst v63  }
0x64: {  	s8 =	rddreg [dreg:$0xe]  }
0x65: {  	[tilespmem:s8], [sflag:$0x1] =	stream.indirect_vreg.gather [hbm4b:s4+s3], $0x80, v4, vm1, $0xb8;
	[tilespmem:$0x18100] =	vst v63  }
0x66: {  	s0 =	rddreg [dreg:$0xf]  }
0x67: {  	[tilespmem:s0], [sflag:$0x1] =	stream.indirect_vreg.gather [hbm4b:s1+s3], $0x80, v3, vm0, $0xb8;
	[tilespmem:$0x18100] =	vst v63  }
0x68: {  	s8 =	rddreg [dreg:$0x10]  }
0x69: {  	[tilespmem:s8], [sflag:$0x1] =	stream.indirect_vreg.gather [hbm4b:s4+s3], $0x80, v3, vm1, $0xb8;
	[tilespmem:$0x18100] =	vst v63  }
0x6a: {  	v3 =	vld [tilespmem:$0x30];
	_ =	sdelay $0x4  }
0x6b: {  	v51 =	vshrl.u32 v3, $0x3  }
0x6c: {  	v4 =	vmul.u32 $0x18, v51  }
0x6d: {  	v3 =	vand.u32 $0x7, v3  }
0x6e: {  	v3 =	vor.u32 v3, v4  }
0x6f: {  	v4 =	vperm.xlane v3, v0;
	_ =	sdelay $0x1  }
0x70: {  	v4 =	vadd.s32 v1, v4;
	_ =	sdelay $0x1  }
0x71: {  	v3 =	vperm.xlane v3, v2;
	_ =	sdelay $0x1  }
0x72: {  	s0 =	rddreg [dreg:$0x11];
	v3 =	vadd.s32 v1, v3  }
0x73: {  	[tilespmem:s0], [sflag:$0x1] =	stream.indirect_vreg.gather [hbm4b:s1+s3], $0x80, v4, vm0, $0xb8;
	[tilespmem:$0x18100] =	vst v63  }
0x74: {  	s8 =	rddreg [dreg:$0x12]  }
0x75: {  	[tilespmem:s8], [sflag:$0x1] =	stream.indirect_vreg.gather [hbm4b:s4+s3], $0x80, v4, vm1, $0xb8;
	[tilespmem:$0x18100] =	vst v63  }
0x76: {  	s0 =	rddreg [dreg:$0x13]  }
0x77: {  	[tilespmem:s0], [sflag:$0x1] =	stream.indirect_vreg.gather [hbm4b:s1+s3], $0x80, v3, vm0, $0xb8;
	[tilespmem:$0x18100] =	vst v63  }
0x78: {  	s8 =	rddreg [dreg:$0x14]  }
0x79: {  	[tilespmem:s8], [sflag:$0x1] =	stream.indirect_vreg.gather [hbm4b:s4+s3], $0x80, v3, vm1, $0xb8;
	[tilespmem:$0x18100] =	vst v63  }
0x7a: {  	v3 =	vld [tilespmem:$0x40];
	_ =	sdelay $0x4  }
0x7b: {  	v52 =	vshrl.u32 v3, $0x3  }
0x7c: {  	v4 =	vmul.u32 $0x18, v52  }
0x7d: {  	v3 =	vand.u32 $0x7, v3  }
0x7e: {  	v3 =	vor.u32 v3, v4  }
0x7f: {  	v4 =	vperm.xlane v3, v0;
	_ =	sdelay $0x1  }
0x80: {  	v4 =	vadd.s32 v1, v4;
	_ =	sdelay $0x1  }
0x81: {  	v3 =	vperm.xlane v3, v2;
	_ =	sdelay $0x1  }
0x82: {  	s0 =	rddreg [dreg:$0x15];
	v3 =	vadd.s32 v1, v3  }
0x83: {  	[tilespmem:s0], [sflag:$0x1] =	stream.indirect_vreg.gather [hbm4b:s1+s3], $0x80, v4, vm0, $0xb8;
	[tilespmem:$0x18100] =	vst v63  }
0x84: {  	s8 =	rddreg [dreg:$0x16]  }
0x85: {  	[tilespmem:s8], [sflag:$0x1] =	stream.indirect_vreg.gather [hbm4b:s4+s3], $0x80, v4, vm1, $0xb8;
	[tilespmem:$0x18100] =	vst v63  }
0x86: {  	s0 =	rddreg [dreg:$0x17]  }
0x87: {  	[tilespmem:s0], [sflag:$0x1] =	stream.indirect_vreg.gather [hbm4b:s1+s3], $0x80, v3, vm0, $0xb8;
	[tilespmem:$0x18100] =	vst v63  }
0x88: {  	s8 =	rddreg [dreg:$0x18]  }
0x89: {  	[tilespmem:s8], [sflag:$0x1] =	stream.indirect_vreg.gather [hbm4b:s4+s3], $0x80, v3, vm1, $0xb8;
	[tilespmem:$0x18100] =	vst v63  }
0x8a: {  	v3 =	vld [tilespmem:$0x50];
	_ =	sdelay $0x4  }
0x8b: {  	v53 =	vshrl.u32 v3, $0x3  }
0x8c: {  	v4 =	vmul.u32 $0x18, v53  }
0x8d: {  	v3 =	vand.u32 $0x7, v3  }
0x8e: {  	v3 =	vor.u32 v3, v4  }
0x8f: {  	v4 =	vperm.xlane v3, v0;
	_ =	sdelay $0x1  }
0x90: {  	v4 =	vadd.s32 v1, v4;
	_ =	sdelay $0x1  }
0x91: {  	v3 =	vperm.xlane v3, v2;
	_ =	sdelay $0x1  }
0x92: {  	s0 =	rddreg [dreg:$0x19];
	v3 =	vadd.s32 v1, v3  }
0x93: {  	[tilespmem:s0], [sflag:$0x1] =	stream.indirect_vreg.gather [hbm4b:s1+s3], $0x80, v4, vm0, $0xb8;
	[tilespmem:$0x18100] =	vst v63  }
0x94: {  	s8 =	rddreg [dreg:$0x1a]  }
0x95: {  	[tilespmem:s8], [sflag:$0x1] =	stream.indirect_vreg.gather [hbm4b:s4+s3], $0x80, v4, vm1, $0xb8;
	[tilespmem:$0x18100] =	vst v63  }
0x96: {  	s0 =	rddreg [dreg:$0x1b]  }
0x97: {  	[tilespmem:s0], [sflag:$0x1] =	stream.indirect_vreg.gather [hbm4b:s1+s3], $0x80, v3, vm0, $0xb8;
	[tilespmem:$0x18100] =	vst v63  }
0x98: {  	s8 =	rddreg [dreg:$0x1c]  }
0x99: {  	[tilespmem:s8], [sflag:$0x1] =	stream.indirect_vreg.gather [hbm4b:s4+s3], $0x80, v3, vm1, $0xb8;
	[tilespmem:$0x18100] =	vst v63  }
0x9a: {  	v3 =	vld [tilespmem:$0x60];
	_ =	sdelay $0x4  }
0x9b: {  	v54 =	vshrl.u32 v3, $0x3  }
0x9c: {  	v4 =	vmul.u32 $0x18, v54  }
0x9d: {  	v3 =	vand.u32 $0x7, v3  }
0x9e: {  	v3 =	vor.u32 v3, v4  }
0x9f: {  	v4 =	vperm.xlane v3, v0;
	_ =	sdelay $0x1  }
0xa0: {  	v4 =	vadd.s32 v1, v4;
	_ =	sdelay $0x1  }
0xa1: {  	v3 =	vperm.xlane v3, v2  }
0xa2: {  	s0 =	rddreg [dreg:$0x1d]  }
0xa3: {  	s8 =	rddreg [dreg:$0x1e];
	v3 =	vadd.s32 v1, v3  }
0xa4: {  	[tilespmem:s0], [sflag:$0x1] =	stream.indirect_vreg.gather [hbm4b:s1+s3], $0x80, v4, vm0, $0xb8;
	[tilespmem:$0x18100] =	vst v63  }
0xa5: {  	s0 =	rddreg [dreg:$0x1f]  }
0xa6: {  	[tilespmem:s8], [sflag:$0x1] =	stream.indirect_vreg.gather [hbm4b:s4+s3], $0x80, v4, vm1, $0xb8;
	[tilespmem:$0x18100] =	vst v63  }
0xa7: {  	s8 =	sld [smem:$0x7F0]  }
0xa8: {  	[tilespmem:s0], [sflag:$0x1] =	stream.indirect_vreg.gather [hbm4b:s1+s3], $0x80, v3, vm0, $0xb8;
	[tilespmem:$0x18100] =	vst v63  }
0xa9: {  	_ = 	snop  }
0xaa: {  	[tilespmem:s8], [sflag:$0x1] =	stream.indirect_vreg.gather [hbm4b:s4+s3], $0x80, v3, vm1, $0xb8;
	[tilespmem:$0x18100] =	vst v63  }
0xab: {  	v3 =	vld [tilespmem:$0x70];
	_ =	sdelay $0x4  }
0xac: {  	v55 =	vshrl.u32 v3, $0x3  }
0xad: {  	v4 =	vmul.u32 $0x18, v55  }
0xae: {  	v3 =	vand.u32 $0x7, v3  }
0xaf: {  	v3 =	vor.u32 v3, v4  }
0xb0: {  	v4 =	vperm.xlane v3, v0;
	_ =	sdelay $0x1  }
0xb1: {  	v4 =	vadd.s32 v1, v4;
	_ =	sdelay $0x1  }
0xb2: {  	s0 =	sld [smem:$0x7F1];
	v3 =	vperm.xlane v3, v2;
	_ =	sdelay $0x1  }
0xb3: {  	s8 =	sld [smem:$0x7F2];
	v3 =	vadd.s32 v1, v3  }
0xb4: {  	[tilespmem:s0], [sflag:$0x1] =	stream.indirect_vreg.gather [hbm4b:s1+s3], $0x80, v4, vm0, $0xb8;
	[tilespmem:$0x18100] =	vst v63  }
0xb5: {  	s0 =	sld [smem:$0x7F3]  }
0xb6: {  	[tilespmem:s8], [sflag:$0x1] =	stream.indirect_vreg.gather [hbm4b:s4+s3], $0x80, v4, vm1, $0xb8;
	[tilespmem:$0x18100] =	vst v63  }
0xb7: {  	s8 =	sld [smem:$0x7F4]  }
0xb8: {  	[tilespmem:s0], [sflag:$0x1] =	stream.indirect_vreg.gather [hbm4b:s1+s3], $0x80, v3, vm0, $0xb8;
	[tilespmem:$0x18100] =	vst v63  }
0xb9: {  	_ = 	snop  }
0xba: {  	[tilespmem:s8], [sflag:$0x1] =	stream.indirect_vreg.gather [hbm4b:s4+s3], $0x80, v3, vm1, $0xb8;
	[tilespmem:$0x18100] =	vst v63  }
0xbb: {  	v3 =	vld [tilespmem:$0x80];
	_ =	sdelay $0x4  }
0xbc: {  	v56 =	vshrl.u32 v3, $0x3  }
0xbd: {  	v4 =	vmul.u32 $0x18, v56  }
0xbe: {  	v3 =	vand.u32 $0x7, v3  }
0xbf: {  	v3 =	vor.u32 v3, v4  }
0xc0: {  	v4 =	vperm.xlane v3, v0;
	_ =	sdelay $0x1  }
0xc1: {  	v4 =	vadd.s32 v1, v4;
	_ =	sdelay $0x1  }
0xc2: {  	s0 =	sld [smem:$0x7F5];
	v3 =	vperm.xlane v3, v2;
	_ =	sdelay $0x1  }
0xc3: {  	s8 =	sld [smem:$0x7F6];
	v3 =	vadd.s32 v1, v3  }
0xc4: {  	[tilespmem:s0], [sflag:$0x1] =	stream.indirect_vreg.gather [hbm4b:s1+s3], $0x80, v4, vm0, $0xb8;
	[tilespmem:$0x18100] =	vst v63  }
0xc5: {  	s0 =	sld [smem:$0x7F7]  }
0xc6: {  	[tilespmem:s8], [sflag:$0x1] =	stream.indirect_vreg.gather [hbm4b:s4+s3], $0x80, v4, vm1, $0xb8;
	[tilespmem:$0x18100] =	vst v63  }
0xc7: {  	s8 =	sld [smem:$0x7F8]  }
0xc8: {  	[tilespmem:s0], [sflag:$0x1] =	stream.indirect_vreg.gather [hbm4b:s1+s3], $0x80, v3, vm0, $0xb8;
	[tilespmem:$0x18100] =	vst v63  }
0xc9: {  	_ = 	snop  }
0xca: {  	[tilespmem:s8], [sflag:$0x1] =	stream.indirect_vreg.gather [hbm4b:s4+s3], $0x80, v3, vm1, $0xb8;
	[tilespmem:$0x18100] =	vst v63  }
0xcb: {  	v3 =	vld [tilespmem:$0x90];
	_ =	sdelay $0x4  }
0xcc: {  	v57 =	vshrl.u32 v3, $0x3  }
0xcd: {  	v4 =	vmul.u32 $0x18, v57  }
0xce: {  	v3 =	vand.u32 $0x7, v3  }
0xcf: {  	v3 =	vor.u32 v3, v4  }
0xd0: {  	v4 =	vperm.xlane v3, v0;
	_ =	sdelay $0x1  }
0xd1: {  	v4 =	vadd.s32 v1, v4;
	_ =	sdelay $0x1  }
0xd2: {  	s0 =	sld [smem:$0x7F9];
	v3 =	vperm.xlane v3, v2;
	_ =	sdelay $0x1  }
0xd3: {  	s8 =	sld [smem:$0x7FA];
	v3 =	vadd.s32 v1, v3  }
0xd4: {  	[tilespmem:s0], [sflag:$0x1] =	stream.indirect_vreg.gather [hbm4b:s1+s3], $0x80, v4, vm0, $0xb8;
	[tilespmem:$0x18100] =	vst v63  }
0xd5: {  	s0 =	sld [smem:$0x7FB]  }
0xd6: {  	[tilespmem:s8], [sflag:$0x1] =	stream.indirect_vreg.gather [hbm4b:s4+s3], $0x80, v4, vm1, $0xb8;
	[tilespmem:$0x18100] =	vst v63  }
0xd7: {  	s8 =	sld [smem:$0x7FC]  }
0xd8: {  	[tilespmem:s0], [sflag:$0x1] =	stream.indirect_vreg.gather [hbm4b:s1+s3], $0x80, v3, vm0, $0xb8;
	[tilespmem:$0x18100] =	vst v63  }
0xd9: {  	_ = 	snop  }
0xda: {  	[tilespmem:s8], [sflag:$0x1] =	stream.indirect_vreg.gather [hbm4b:s4+s3], $0x80, v3, vm1, $0xb8;
	[tilespmem:$0x18100] =	vst v63  }
0xdb: {  	v3 =	vld [tilespmem:$0xA0];
	_ =	sdelay $0x4  }
0xdc: {  	v58 =	vshrl.u32 v3, $0x3  }
0xdd: {  	v4 =	vmul.u32 $0x18, v58  }
0xde: {  	v3 =	vand.u32 $0x7, v3  }
0xdf: {  	v3 =	vor.u32 v3, v4  }
0xe0: {  	v4 =	vperm.xlane v3, v0;
	_ =	sdelay $0x1  }
0xe1: {  	v4 =	vadd.s32 v1, v4;
	_ =	sdelay $0x1  }
0xe2: {  	s8 =	sld [smem:$0x7FD];
	v3 =	vperm.xlane v3, v2;
	_ =	sdelay $0x1  }
0xe3: {  	v3 =	vadd.s32 v1, v3  }
0xe4: {  	[tilespmem:s8], [sflag:$0x1] =	stream.indirect_vreg.gather [hbm4b:s1+s3], $0x80, v4, vm0, $0xb8;
	[tilespmem:$0x18100] =	vst v63  }
0xe5: {  	s8 =	simm.s32 $0xF900  }
0xe6: {  	[tilespmem:s8], [sflag:$0x1] =	stream.indirect_vreg.gather [hbm4b:s4+s3], $0x80, v4, vm1, $0xb8;
	[tilespmem:$0x18100] =	vst v63  }
0xe7: {  	_ = 	snop  }
0xe8: {  	[tilespmem:s9], [sflag:$0x1] =	stream.indirect_vreg.gather [hbm4b:s1+s3], $0x80, v3, vm0, $0xb8;
	[tilespmem:$0x18100] =	vst v63  }
0xe9: {  	_ = 	snop  }
0xea: {  	[tilespmem:s10], [sflag:$0x1] =	stream.indirect_vreg.gather [hbm4b:s4+s3], $0x80, v3, vm1, $0xb8;
	[tilespmem:$0x18100] =	vst v63  }
0xeb: {  	v3 =	vld [tilespmem:$0xB0];
	_ =	sdelay $0x4  }
0xec: {  	v59 =	vshrl.u32 v3, $0x3  }
0xed: {  	v4 =	vmul.u32 $0x18, v59  }
0xee: {  	v3 =	vand.u32 $0x7, v3  }
0xef: {  	v3 =	vor.u32 v3, v4  }
0xf0: {  	v4 =	vperm.xlane v3, v0;
	_ =	sdelay $0x1  }
0xf1: {  	v4 =	vadd.s32 v1, v4;
	_ =	sdelay $0x1  }
0xf2: {  	v3 =	vperm.xlane v3, v2;
	_ =	sdelay $0x1  }
0xf3: {  	v3 =	vadd.s32 v1, v3  }
0xf4: {  	[tilespmem:s11], [sflag:$0x1] =	stream.indirect_vreg.gather [hbm4b:s1+s3], $0x80, v4, vm0, $0xb8;
	[tilespmem:$0x18100] =	vst v63  }
0xf5: {  	_ = 	snop  }
0xf6: {  	[tilespmem:s12], [sflag:$0x1] =	stream.indirect_vreg.gather [hbm4b:s4+s3], $0x80, v4, vm1, $0xb8;
	[tilespmem:$0x18100] =	vst v63  }
0xf7: {  	_ = 	snop  }
0xf8: {  	[tilespmem:s13], [sflag:$0x1] =	stream.indirect_vreg.gather [hbm4b:s1+s3], $0x80, v3, vm0, $0xb8;
	[tilespmem:$0x18100] =	vst v63  }
0xf9: {  	_ = 	snop  }
0xfa: {  	[tilespmem:s14], [sflag:$0x1] =	stream.indirect_vreg.gather [hbm4b:s4+s3], $0x80, v3, vm1, $0xb8;
	[tilespmem:$0x18100] =	vst v63  }
0xfb: {  	v3 =	vld [tilespmem:$0xC0];
	_ =	sdelay $0x4  }
0xfc: {  	v60 =	vshrl.u32 v3, $0x3  }
0xfd: {  	v4 =	vmul.u32 $0x18, v60  }
0xfe: {  	v3 =	vand.u32 $0x7, v3  }
0xff: {  	v3 =	vor.u32 v3, v4  }
0x100: {  	v4 =	vperm.xlane v3, v0;
	_ =	sdelay $0x1  }
0x101: {  	v4 =	vadd.s32 v1, v4;
	_ =	sdelay $0x1  }
0x102: {  	v3 =	vperm.xlane v3, v2;
	_ =	sdelay $0x1  }
0x103: {  	v3 =	vadd.s32 v1, v3  }
0x104: {  	[tilespmem:s15], [sflag:$0x1] =	stream.indirect_vreg.gather [hbm4b:s1+s3], $0x80, v4, vm0, $0xb8;
	[tilespmem:$0x18100] =	vst v63  }
0x105: {  	_ = 	snop  }
0x106: {  	[tilespmem:s16], [sflag:$0x1] =	stream.indirect_vreg.gather [hbm4b:s4+s3], $0x80, v4, vm1, $0xb8;
	[tilespmem:$0x18100] =	vst v63  }
0x107: {  	_ = 	snop  }
0x108: {  	[tilespmem:s17], [sflag:$0x1] =	stream.indirect_vreg.gather [hbm4b:s1+s3], $0x80, v3, vm0, $0xb8;
	[tilespmem:$0x18100] =	vst v63  }
0x109: {  	_ = 	snop  }
0x10a: {  	[tilespmem:s18], [sflag:$0x1] =	stream.indirect_vreg.gather [hbm4b:s4+s3], $0x80, v3, vm1, $0xb8;
	[tilespmem:$0x18100] =	vst v63  }
0x10b: {  	v3 =	vld [tilespmem:$0xD0];
	_ =	sdelay $0x4  }
0x10c: {  	v61 =	vshrl.u32 v3, $0x3  }
0x10d: {  	v4 =	vmul.u32 $0x18, v61  }
0x10e: {  	v3 =	vand.u32 $0x7, v3  }
0x10f: {  	v3 =	vor.u32 v3, v4  }
0x110: {  	v4 =	vperm.xlane v3, v0;
	_ =	sdelay $0x1  }
0x111: {  	v4 =	vadd.s32 v1, v4;
	_ =	sdelay $0x1  }
0x112: {  	v3 =	vperm.xlane v3, v2;
	_ =	sdelay $0x1  }
0x113: {  	v3 =	vadd.s32 v1, v3  }
0x114: {  	[tilespmem:s19], [sflag:$0x1] =	stream.indirect_vreg.gather [hbm4b:s1+s3], $0x80, v4, vm0, $0xb8;
	[tilespmem:$0x18100] =	vst v63  }
0x115: {  	_ = 	snop  }
0x116: {  	[tilespmem:s20], [sflag:$0x1] =	stream.indirect_vreg.gather [hbm4b:s4+s3], $0x80, v4, vm1, $0xb8;
	[tilespmem:$0x18100] =	vst v63  }
0x117: {  	_ = 	snop  }
0x118: {  	[tilespmem:s21], [sflag:$0x1] =	stream.indirect_vreg.gather [hbm4b:s1+s3], $0x80, v3, vm0, $0xb8;
	[tilespmem:$0x18100] =	vst v63  }
0x119: {  	_ = 	snop  }
0x11a: {  	[tilespmem:s22], [sflag:$0x1] =	stream.indirect_vreg.gather [hbm4b:s4+s3], $0x80, v3, vm1, $0xb8;
	[tilespmem:$0x18100] =	vst v63  }
0x11b: {  	v3 =	vld [tilespmem:$0xE0];
	_ =	sdelay $0x4  }
0x11c: {  	v62 =	vshrl.u32 v3, $0x3  }
0x11d: {  	v4 =	vmul.u32 $0x18, v62  }
0x11e: {  	v3 =	vand.u32 $0x7, v3  }
0x11f: {  	v3 =	vor.u32 v3, v4  }
0x120: {  	v4 =	vperm.xlane v3, v0;
	_ =	sdelay $0x1  }
0x121: {  	v4 =	vadd.s32 v1, v4;
	_ =	sdelay $0x1  }
0x122: {  	v3 =	vperm.xlane v3, v2;
	_ =	sdelay $0x1  }
0x123: {  	v3 =	vadd.s32 v1, v3  }
0x124: {  	[tilespmem:s23], [sflag:$0x1] =	stream.indirect_vreg.gather [hbm4b:s1+s3], $0x80, v4, vm0, $0xb8;
	[tilespmem:$0x18100] =	vst v63  }
0x125: {  	_ = 	snop  }
0x126: {  	[tilespmem:s24], [sflag:$0x1] =	stream.indirect_vreg.gather [hbm4b:s4+s3], $0x80, v4, vm1, $0xb8;
	[tilespmem:$0x18100] =	vst v63  }
0x127: {  	_ = 	snop  }
0x128: {  	[tilespmem:s25], [sflag:$0x1] =	stream.indirect_vreg.gather [hbm4b:s1+s3], $0x80, v3, vm0, $0xb8;
	[tilespmem:$0x18100] =	vst v63  }
0x129: {  	_ = 	snop  }
0x12a: {  	[tilespmem:s26], [sflag:$0x1] =	stream.indirect_vreg.gather [hbm4b:s4+s3], $0x80, v3, vm1, $0xb8;
	[tilespmem:$0x18100] =	vst v63  }
0x12b: {  	v3 =	vld [tilespmem:$0xF0];
	_ =	sdelay $0x4  }
0x12c: {  	v63 =	vshrl.u32 v3, $0x3  }
0x12d: {  	v4 =	vmul.u32 $0x18, v63  }
0x12e: {  	v3 =	vand.u32 $0x7, v3  }
0x12f: {  	v3 =	vor.u32 v3, v4  }
0x130: {  	v4 =	vperm.xlane v3, v0;
	_ =	sdelay $0x1  }
0x131: {  	v4 =	vadd.s32 v1, v4;
	_ =	sdelay $0x1  }
0x132: {  	v3 =	vperm.xlane v3, v2;
	_ =	sdelay $0x1  }
0x133: {  	v3 =	vadd.s32 v1, v3  }
0x134: {  	[tilespmem:s28], [sflag:$0x1] =	stream.indirect_vreg.gather [hbm4b:s1+s3], $0x80, v4, vm0, $0xb8;
	[tilespmem:$0x18100] =	vst v63  }
0x135: {  	_ = 	snop  }
0x136: {  	[tilespmem:s29], [sflag:$0x1] =	stream.indirect_vreg.gather [hbm4b:s4+s3], $0x80, v4, vm1, $0xb8;
	[tilespmem:$0x18100] =	vst v63  }
0x137: {  	_ = 	snop  }
0x138: {  	[tilespmem:s30], [sflag:$0x1] =	stream.indirect_vreg.gather [hbm4b:s1+s3], $0x80, v3, vm0, $0xb8;
	[tilespmem:$0x18100] =	vst v63  }
0x139: {  	_ = 	snop  }
0x13a: {  	[tilespmem:s31], [sflag:$0x1] =	stream.indirect_vreg.gather [hbm4b:s4+s3], $0x80, v3, vm1, $0xb8;
	[tilespmem:$0x18100] =	vst v63  }
0x13b: {  	_ =	swait.ge [sflag:s2], $0x18000  }
0x13c: {  	p0 =	sne.s32 s5, $0x1;
	[sflag:s2] =	ssyncset.done $0x0  }
.Ltmp0:
0x13d: {  	s8 =	rddreg [dreg:$0x5];
	[sflag:s2] =	ssyncadd.s32 $0xFFFE8000;
	(pc) =	sbr.rel @p0 .LBB2_1-.Ltmp0, $4  }
0x13e: {  	[hbm4b:s8+s3] =	stream.linear.scatter [tilespmem:s7], [sflag:$0x2], $0x18000, $0x38;
	[tilespmem:$0x18100] =	vst v63  }
0x13f: {  	_ =	swait.ge [sflag:s6], $0x18000  }
0x140: {  	[sflag:s6] =	ssyncset.done $0x0  }
0x141: {  	s5 =	sadd.s32 $0xFFFFFFFF, s5;
	[sflag:s6] =	ssyncadd.s32 $0xFFFE8000  }
0x142: {  	_ =	sfence.sel $0x180000  }
0x143: {  	[bflag:$0x0] =	sbarrier.arrive $0xFFFF  }
0x144: {  	_ =	strace $0x9000004A  }
0x145: {  	s0 =	stileid.u32;
	[bflag:$0x2] =	sbarrier.arrive $0xFFFF  }
0x146: {  	p0 =	sne.s32 s0, $0x0;
	s0 =	rddreg [dreg:$0x3]  }
0x147: {  	s0 =	sadd.s32 @!p0 $0x100000, s0  }
0x148: {  	[sflag:s0] =	ssyncadd.tile.s32 @!p0 $0x1;
	_ =	shalt  }
.Lfunc_end2:
_tile_overlayer_lowered:
.L_overlay_start_2:
0x149: {  	(tag) =	ssettag $0x2  }
0x14a: {  	s0 =	rddreg [dreg:$0x0];
	s2 =	stileid.u32  }
0x14b: {  	s1 =	rddreg [dreg:$0x1];
	p0 =	sne.s32 s2, $0x0  }
0x14c: {  	s3 =	rddreg [dreg:$0x2];
	[bflag:$0x3] =	sbarrier.arrive $0xFFFF;
	s2 =	simm.s32 @!p0 $0x1C02  }
0x14d: {  	[timem:s3], [sflag:s2] =	dma.local @!p0 [hbm:s0], s1  }
0x14e: {  	s0 =	simm.s32 @!p0 $0x2  }
0x14f: {  	_ =	swait.ge @!p0 [sflag:s0], s1  }
0x150: {  	s1 =	ssub.s32 @!p0 $0x0, s1;
	[sflag:s0] =	ssyncset.done @!p0 $0x0  }
0x151: {  	[sflag:s0] =	ssyncadd.s32 @!p0 s1  }
0x152: {  	[bflag:$0x3] =	sbarrier.arrive $0xFFFF  }
0x153: {  	_ =	shalt  }

// kernel: kernel.17.cloned.1.call-start
scs
__scs_entry_jumppad:
0x0: {  	(pc) =	sbr.rel $0x88, $3  }
0x1: {  	(tag) =	ssettag $0x0;
	lr =	simm.s32 $0x1  }
0x2: {  	[smem:$0x3F9B] =	sst lr;
	_ =	strace $0xD0000000  }
0x3: {  	_ = 	snop  }
0x4: {  	_ = 	snop  }
0x5: {  	_ = 	snop  }
0x6: {  	_ = 	snop  }
0x7: {  	_ = 	snop  }
__scs_overlays_trampoline_lowered:
0x8: {  	[smem:$0x3FAA] =	sst s0  }
0x9: {  	[smem:$0x3FAB] =	sst s1  }
0xa: {  	[smem:$0x3FAC] =	sst s2  }
0xb: {  	[smem:$0x3FAD] =	sst s3  }
0xc: {  	[smem:$0x3FAE] =	sst s4  }
0xd: {  	[smem:$0x3FAF] =	sst s5  }
0xe: {  	[smem:$0x3FB0] =	sst s6  }
0xf: {  	[smem:$0x3FB1] =	sst s7  }
0x10: {  	[smem:$0x3FB2] =	sst s8  }
0x11: {  	[smem:$0x3FB3] =	sst s9;
	s0 =	simm.s32 @!p0 $0x0  }
0x12: {  	s1 =	sld [smem:$0x3F99];
	s0 =	simm.s32 @p0 $0x1  }
0x13: {  	[smem:$0x3FB4] =	sst s0;
	s0 =	simm.s32 @!p1 $0x0  }
0x14: {  	s2 =	sld [smem:$0x3F98];
	s0 =	simm.s32 @p1 $0x1  }
0x15: {  	[smem:$0x3FB5] =	sst s0;
	s0 =	simm.s32 @!p2 $0x0  }
0x16: {  	s3 =	sld [smem:$0x3FDB];
	s0 =	simm.s32 @p2 $0x1  }
0x17: {  	s4 =	simm.s32 $0x1BF5;
	[smem:$0x3FB7] =	sst s0  }
0x18: {  	s0 =	sld [smem:$0x3F9A];
	_ =	swait.ge [sflag:s4], $0x0  }
0x19: {  	s7 =	sld [smem:$0x3F9B]  }
0x1a: {  	s8 =	sadd.s32 $0xFFFFE003, lr  }
0x1b: {  	s9 =	sadd.s32 $0xFFFFFEF7, lr;
	s5 =	simm.s32 $0xFFFFFFFF;
	p2 =	slt.u32 s8, $0xFFFFF086  }
0x1c: {  	p1 =	slt.u32 s9, $0xF7A;
	s5 =	simm.s32 @!p2 $0x0  }
0x1d: {  	s5 =	simm.s32 @p1 $0x1;
	p0 =	seq.s32 s7, s2  }
0x1e: {  	s7 =	smul.u32 @!p0 $0xF7A, s2;
	p2 =	seq.s32 @!p0 s5, $0x0  }
0x1f: {  	s9 =	smul.u32 $0xF7A, s1;
	s8 =	simm.s32 @!p0 $0x1BF5;
	p2 =	por !p2, p0  }
0x20: {  	[sflag:s8] =	ssyncset.s32 @!p0 $0xFFFFF086;
	s6 =	sadd.s32 @!p0 s3, s7;
	s7 =	simm.s32 @!p0 $0x108  }
0x21: {  	s3 =	sadd.s32 s3, s9;
	s6 =	sadd.s32 @!p0 $0x88, s6;
	s7 =	simm.s32 @p2 $0x1082  }
0x22: {  	[simem:s7], [sflag:s8] =	dma.local @!p0 [hbm:s6], $0xF7A  }
0x23: {  	s9 =	sor.u32 $0xD0000000, s2;
	s6 =	simm.s32 $0x108;
	_ =	swait.ge @!p0 [sflag:s8], $0x0  }
0x24: {  	s3 =	sadd.s32 $0x88, s3;
	s6 =	simm.s32 @!p1 $0x1082;
	[sflag:s4] =	ssyncset.s32 $0xFFFFF086  }
0x25: {  	[simem:s6], [sflag:s4] =	dma.local [hbm:s3], $0xF7A  }
0x26: {  	[smem:$0x3F9B] =	sst s1;
	(tag) =	ssettag s2;
	_ =	strace s9  }
0x27: {  	s1 =	sld [smem:$0x3FAB]  }
0x28: {  	s2 =	sld [smem:$0x3FAC]  }
0x29: {  	s4 =	sld [smem:$0x3FAE]  }
0x2a: {  	p0 =	seq.s32 s5, $0x0;
	s5 =	sld [smem:$0x3FAF]  }
0x2b: {  	s6 =	sld [smem:$0x3FB0]  }
0x2c: {  	s7 =	sld [smem:$0x3FB1]  }
0x2d: {  	s3 =	simm.s32 $0x108;
	s8 =	sld [smem:$0x3FB2]  }
0x2e: {  	s3 =	simm.s32 @!p0 $0x1082;
	s9 =	sld [smem:$0x3FB3]  }
0x2f: {  	lr =	sadd.s32 s0, s3;
	s0 =	sld [smem:$0x3FAA]  }
0x30: {  	s3 =	sld [smem:$0x3FAD]  }
0x31: {  	[smem:$0x3FB6] =	sst s10  }
0x32: {  	s10 =	sld [smem:$0x3FB4];
	_ =	sdelay $0x3  }
0x33: {  	p0 =	seq.s32 s10, $0x1;
	s10 =	sld [smem:$0x3FB6];
	_ =	sdelay $0x3  }
0x34: {  	[smem:$0x3FB6] =	sst s10  }
0x35: {  	s10 =	sld [smem:$0x3FB5];
	_ =	sdelay $0x3  }
0x36: {  	p1 =	seq.s32 s10, $0x1;
	s10 =	sld [smem:$0x3FB6];
	_ =	sdelay $0x3  }
0x37: {  	[smem:$0x3FB6] =	sst s10  }
0x38: {  	s10 =	sld [smem:$0x3FB7]  }
0x39: {  	_ = 	snop;
	(pc) =	sbr.ind lr, $3  }
0x3a: {  	_ = 	snop  }
0x3b: {  	_ = 	snop  }
0x3c: {  	p2 =	seq.s32 s10, $0x1;
	s10 =	sld [smem:$0x3FB6]  }
0x3d: {  	_ =	shalt  }
0x3e: {  	_ =	shalt  }
0x3f: {  	_ =	shalt  }
0x40: {  	_ =	shalt  }
0x41: {  	_ =	shalt  }
0x42: {  	_ =	shalt  }
0x43: {  	_ =	shalt  }
0x44: {  	_ =	shalt  }
0x45: {  	_ =	shalt  }
0x46: {  	_ =	shalt  }
0x47: {  	_ =	shalt  }
0x48: {  	_ =	shalt  }
0x49: {  	_ =	shalt  }
0x4a: {  	_ =	shalt  }
0x4b: {  	_ =	shalt  }
0x4c: {  	_ =	shalt  }
0x4d: {  	_ =	shalt  }
0x4e: {  	_ =	shalt  }
0x4f: {  	_ =	shalt  }
0x50: {  	_ =	shalt  }
0x51: {  	_ =	shalt  }
0x52: {  	_ =	shalt  }
0x53: {  	_ =	shalt  }
0x54: {  	_ =	shalt  }
0x55: {  	_ =	shalt  }
0x56: {  	_ =	shalt  }
0x57: {  	_ =	shalt  }
0x58: {  	_ =	shalt  }
0x59: {  	_ =	shalt  }
0x5a: {  	_ =	shalt  }
0x5b: {  	_ =	shalt  }
0x5c: {  	_ =	shalt  }
0x5d: {  	_ =	shalt  }
0x5e: {  	_ =	shalt  }
0x5f: {  	_ =	shalt  }
0x60: {  	_ =	shalt  }
0x61: {  	_ =	shalt  }
0x62: {  	_ =	shalt  }
0x63: {  	_ =	shalt  }
0x64: {  	_ =	shalt  }
0x65: {  	_ =	shalt  }
0x66: {  	_ =	shalt  }
0x67: {  	_ =	shalt  }
0x68: {  	_ =	shalt  }
0x69: {  	_ =	shalt  }
0x6a: {  	_ =	shalt  }
0x6b: {  	_ =	shalt  }
0x6c: {  	_ =	shalt  }
0x6d: {  	_ =	shalt  }
0x6e: {  	_ =	shalt  }
0x6f: {  	_ =	shalt  }
0x70: {  	_ =	shalt  }
0x71: {  	_ =	shalt  }
0x72: {  	_ =	shalt  }
0x73: {  	_ =	shalt  }
0x74: {  	_ =	shalt  }
0x75: {  	_ =	shalt  }
0x76: {  	_ =	shalt  }
0x77: {  	_ =	shalt  }
0x78: {  	_ =	shalt  }
0x79: {  	_ =	shalt  }
0x7a: {  	_ =	shalt  }
0x7b: {  	_ =	shalt  }
0x7c: {  	_ =	shalt  }
0x7d: {  	_ =	shalt  }
0x7e: {  	_ =	shalt  }
0x7f: {  	_ =	shalt  }
0x80: {  	_ =	shalt  }
0x81: {  	_ =	shalt  }
0x82: {  	_ =	shalt  }
0x83: {  	_ =	shalt  }
0x84: {  	_ =	shalt  }
0x85: {  	_ =	shalt  }
0x86: {  	_ =	shalt  }
0x87: {  	_ =	shalt  }
.Lfunc_end0:
.L_simem_size_0:
called_computation.2_lowered:
.L_overlay_start_0:
0x88: {  	s2 =	sld [smem:$0x3FD9]  }
0x89: {  	s3 =	sld [smem:$0x3FFE];
	_ =	sdelay $0x1  }
0x8a: {  	s1 =	srdreg.scid  }
0x8b: {  	s0 =	sand.u32 $0x1, s1  }
0x8c: {  	s15 =	sshll.u32 s0, $0xA;
	s2 =	sadd.s32 s3, s2  }
0x8d: {  	s2 =	sadd.s32 s2, s15  }
0x8e: {  	[smem:$0x3FC2] =	sst s2  }
0x8f: {  	_ = 	snop  }
0x90: {  	s16 =	sld [smem:$0x3FD0];
	_ =	sdelay $0x2  }
0x91: {  	s4 =	simm.s32 $0xC;
	s5 =	simm.s32 $0x10;
	s2 =	sld [smem:$0x3FC4]  }
0x92: {  	[smem:s5], [sflag:s4] =	dma.local [hbm:s16], $0x1  }
0x93: {  	_ =	swait.eq [sflag:s4], $0x1  }
0x94: {  	[sflag:s4] =	ssyncset.done $0x0  }
0x95: {  	[sflag:s4] =	ssyncadd.s32 $0xFFFFFFFF  }
0x96: {  	s17 =	sld [smem:$0x16];
	(tm) =	ssettm $0x1  }
0x97: {  	s18 =	sld [smem:$0x3FFB];
	_ =	sdelay $0x3  }
0x98: {  	_ =	strace s18  }
0x99: {  	s3 =	sld [smem:$0x3FFC];
	_ =	sdelay $0x3  }
0x9a: {  	_ =	strace s3  }
0x9b: {  	s3 =	sld [smem:$0x3FFD];
	_ =	sdelay $0x3  }
0x9c: {  	_ =	strace s3  }
0x9d: {  	_ =	strace $0x8FFFFFFF  }
0x9e: {  	s19 =	sld [smem:$0x3FDB];
	_ =	sdelay $0x1  }
0x9f: {  	s20 =	simm.s32 $_scs_section_size  }
0xa0: {  	s6 =	simm.s32 $_size__tile_overlayer_lowered;
	s7 =	simm.s32 $_tile_overlayer_lowered  }
0xa1: {  	s8 =	simm.s32 $0x1BFF;
	s21 =	sshll.u32 s7, $0x1;
	s5 =	sadd.s32 s20, s19  }
0xa2: {  	s22 =	simm.s32 $0x0;
	s6 =	sshll.u32 s6, $0x1;
	s7 =	sadd.s32 s21, s5  }
0xa3: {  	[timem:s22], [sflag:s8] =	dma.local [hbm:s7], s6  }
0xa4: {  	_ =	swait.ge [sflag:s8], s6  }
0xa5: {  	s6 =	ssub.s32 $0x0, s6;
	[sflag:s8] =	ssyncset.done $0x0  }
0xa6: {  	[sflag:s8] =	ssyncadd.s32 s6;
	_ =	sdelay $0x1  }
0xa7: {  	s23 =	simm.s32 $0x1B8B  }
0xa8: {  	_ =	swait.ge [sflag:s23], $0x1  }
0xa9: {  	[sflag:s23] =	ssyncset.done $0x0  }
0xaa: {  	[sflag:s23] =	ssyncadd.s32 $0xFFFFFFFF  }
0xab: {  	s6 =	sld [smem:$0x0]  }
0xac: {  	s7 =	sand.u32 $0xFFFFFFFE, s1  }
0xad: {  	p0 =	sne.s32 s1, s7  }
0xae: {  	s7 =	sshll.u32 @p0 s7, $0xE  }
0xaf: {  	s7 =	sadd.s32 @p0 $0x11B8D, s7;
	s8 =	sshll.u32 @p0 s6, $0x11  }
0xb0: {  	s7 =	sor.u32 @p0 s8, s7  }
0xb1: {  	[sflag:s7] =	ssyncadd.remote.s32 @p0 $0x1;
	_ =	sdelay $0x1  }
0xb2: {  	s7 =	simm.s32 @p0 $0x1B8D  }
0xb3: {  	_ =	swait.eq @p0 [sflag:s7], $0x1  }
0xb4: {  	[sflag:s7] =	ssyncadd.s32 @p0 $0xFFFFFFFF  }
0xb5: {  	s8 =	sshll.u32 @!p0 s1, $0xE  }
0xb6: {  	s8 =	sor.u32 @!p0 $0x4000, s8;
	s7 =	simm.s32 @!p0 $0x1B8D  }
0xb7: {  	s6 =	sshll.u32 @!p0 s6, $0x11;
	s8 =	sadd.s32 @!p0 $0x11B8D, s8;
	_ =	swait.eq @!p0 [sflag:s7], $0x1  }
0xb8: {  	s6 =	sor.u32 @!p0 s6, s8;
	[sflag:s7] =	ssyncadd.s32 @!p0 $0xFFFFFFFF  }
0xb9: {  	s25 =	simm.s32 $0x1B8E;
	s24 =	sld [smem:$0x3FFE];
	[sflag:s6] =	ssyncadd.remote.s32 @!p0 $0x1  }
0xba: {  	s26 =	simm.s32 $execute0_lowered;
	[smem:$0x3FD2] =	sst s25  }
0xbb: {  	s7 =	sshll.u32 s26, $0x1;
	_ =	strace $0x8000004C;
	[dreg:$0x1] =	wrdreg $0xFFFFFFFF  }
0xbc: {  	s28 =	simm.s32 $_size_execute0_lowered;
	s5 =	sadd.s32 s5, s7;
	[dreg:$0x0] =	wrdreg $0x0  }
0xbd: {  	s7 =	sshll.u32 s28, $0x1;
	[dreg:$0x2] =	wrdreg s5  }
0xbe: {  	[dreg:$0x3] =	wrdreg s7  }
0xbf: {  	[dreg:$0x4] =	wrdreg $0xC0  }
0xc0: {  	_ =	task [dreg:s22], $0x5FFFF  }
0xc1: {  	[dreg:$0x1] =	wrdreg $0xFFFFFFFF  }
0xc2: {  	[dreg:$0x0] =	wrdreg $0x60  }
0xc3: {  	[dreg:$0x2] =	wrdreg s2  }
0xc4: {  	[dreg:$0x3] =	wrdreg s24  }
0xc5: {  	[dreg:$0x4] =	wrdreg s17  }
0xc6: {  	[dreg:$0x5] =	wrdreg $0xB  }
0xc7: {  	_ =	task.clear_ibuf [dreg:s22], $0x6FFFF;
	_ =	strace $0x9000004C  }
0xc8: {  	s29 =	simm.s32 $0xB;
	_ =	strace $0x8000004E  }
0xc9: {  	_ =	swait.ge [sflag:s29], $0x1  }
0xca: {  	[sflag:s29] =	ssyncadd.s32 $0xFFFFFFFF  }
0xcb: {  	_ =	strace $0x9000004E  }
0xcc: {  	_ =	sfence  }
0xcd: {  	s30 =	sld [smem:$0x0];
	_ =	sdelay $0x2  }
0xce: {  	s31 =	sshll.u32 s1, $0xD;
	s1 =	sshrl.u32 s1, $0x2  }
0xcf: {  	s4 =	sand.u32 $0x4000, s31;
	s1 =	sadd.s32 s1, s30  }
0xd0: {  	s0 =	sor.u32 s4, s0;
	s1 =	sshll.u32 s1, $0x11  }
0xd1: {  	s0 =	sor.u32 s1, s0  }
0xd2: {  	s0 =	sadd.s32 $0x8F2B, s0  }
0xd3: {  	[sflag:s0] =	ssyncadd.remote.s32 $0x1  }
0xd4: {  	_ =	sfence.sel $0xFFFF  }
0xd5: {  	[dreg:$0x0] =	wrdreg $0xFFFFFFFF;
	(pc) =	sbr.abs _section_cstart, $3  }
0xd6: {  	[dreg:$0x1] =	wrdreg $0xFFFFFFFF  }
0xd7: {  	_ =	task.clear_ibuf [dreg:s22], $0x2FFFF;
	_ =	strace $0x9FFFFFFF  }
0xd8: {  	(tm) =	ssettm $0x7FFFFFFF  }
0xd9: {  	_ =	shalt  }
tec
execute0_lowered:
.L_overlay_start_1:
0x0: {  	(tag) =	ssettag $0x1  }
0x1: {  	s1 =	rddreg [dreg:$0x0]  }
0x2: {  	s4 =	rddreg [dreg:$0x1]  }
0x3: {  	s5 =	rddreg [dreg:$0x2];
	s3 =	simm.s32 $0x0  }
0x4: {  	s9 =	simm.s32 $0x900;
	[smem:$0x7FF] =	sst s3  }
0x5: {  	s10 =	simm.s32 $0xD00;
	_ =	strace $0x8000004D;
	[dreg:$0x6] =	wrdreg s9  }
0x6: {  	s11 =	simm.s32 $0x1500;
	[dreg:$0x7] =	wrdreg s10  }
0x7: {  	s12 =	simm.s32 $0x1900;
	[dreg:$0x8] =	wrdreg s11  }
0x8: {  	s13 =	simm.s32 $0x2100;
	[dreg:$0x9] =	wrdreg s12  }
0x9: {  	s14 =	simm.s32 $0x2500;
	[dreg:$0xa] =	wrdreg s13  }
0xa: {  	s15 =	simm.s32 $0x2D00;
	[dreg:$0xb] =	wrdreg s14  }
0xb: {  	s16 =	simm.s32 $0x3100;
	[dreg:$0xc] =	wrdreg s15  }
0xc: {  	s17 =	simm.s32 $0x3900;
	[dreg:$0xd] =	wrdreg s16  }
0xd: {  	s18 =	simm.s32 $0x3D00;
	[dreg:$0xe] =	wrdreg s17  }
0xe: {  	s19 =	simm.s32 $0x4500;
	[dreg:$0xf] =	wrdreg s18  }
0xf: {  	s20 =	simm.s32 $0x4900;
	[dreg:$0x10] =	wrdreg s19  }
0x10: {  	s21 =	simm.s32 $0x5100;
	[dreg:$0x11] =	wrdreg s20  }
0x11: {  	s22 =	simm.s32 $0x5500;
	[dreg:$0x12] =	wrdreg s21  }
0x12: {  	s23 =	simm.s32 $0x5D00;
	[dreg:$0x13] =	wrdreg s22  }
0x13: {  	s24 =	simm.s32 $0x6100;
	[dreg:$0x14] =	wrdreg s23  }
0x14: {  	s25 =	simm.s32 $0x6900;
	[dreg:$0x15] =	wrdreg s24  }
0x15: {  	s0 =	stileid.u32;
	s26 =	simm.s32 $0x6D00;
	[dreg:$0x16] =	wrdreg s25  }
0x16: {  	s6 =	sshll.u32 s0, $0x6;
	s0 =	simm.s32 $0x7500;
	[dreg:$0x17] =	wrdreg s26  }
0x17: {  	[dreg:$0x18] =	wrdreg s0;
	s9 =	simm.s32 $0x9100  }
0x18: {  	s10 =	simm.s32 $0x9900;
	[dreg:$0x1d] =	wrdreg s9  }
0x19: {  	s11 =	simm.s32 $0x9D00;
	[dreg:$0x1e] =	wrdreg s10  }
0x1a: {  	s12 =	simm.s32 $0xA500;
	[dreg:$0x1f] =	wrdreg s11  }
0x1b: {  	s13 =	simm.s32 $0xA900;
	[smem:$0x7F0] =	sst s12  }
0x1c: {  	s14 =	simm.s32 $0xB100;
	[smem:$0x7F1] =	sst s13  }
0x1d: {  	s15 =	simm.s32 $0xB500;
	[smem:$0x7F2] =	sst s14  }
0x1e: {  	s2 =	srdreg.scid;
	s16 =	simm.s32 $0xBD00;
	[smem:$0x7F3] =	sst s15  }
0x1f: {  	s28 =	simm.s32 $0x16900;
	s17 =	simm.s32 $0xC100;
	[smem:$0x7F4] =	sst s16  }
0x20: {  	s29 =	simm.s32 $0x17100;
	s18 =	simm.s32 $0xC900;
	[smem:$0x7F5] =	sst s17  }
0x21: {  	s30 =	simm.s32 $0x17500;
	s19 =	simm.s32 $0xCD00;
	[smem:$0x7F6] =	sst s18  }
0x22: {  	s31 =	simm.s32 $0x17D00;
	s20 =	simm.s32 $0xD500;
	[smem:$0x7F7] =	sst s19  }
0x23: {  	s2 =	sand.u32 $0x1, s2;
	s21 =	simm.s32 $0xD900;
	[smem:$0x7F8] =	sst s20  }
0x24: {  	s7 =	sshll.u32 s2, $0x5;
	s23 =	simm.s32 $0xE100;
	[smem:$0x7F9] =	sst s21  }
0x25: {  	s2 =	ssub.s32 $0x2, s2;
	s24 =	simm.s32 $0xE500;
	[smem:$0x7FA] =	sst s23  }
0x26: {  	s25 =	simm.s32 $0xED00;
	s26 =	simm.s32 $0xF100;
	[smem:$0x7FB] =	sst s24  }
0x27: {  	s6 =	sor.u32 s7, s6;
	s7 =	simm.s32 $0x8500;
	[smem:$0x7FC] =	sst s25  }
0x28: {  	s22 =	sshrl.u32 s2, $0x1;
	[smem:$0x7FD] =	sst s26;
	s9 =	simm.s32 $0xFD00  }
0x29: {  	s10 =	simm.s32 $0x10500;
	s11 =	simm.s32 $0x10900;
	s12 =	simm.s32 $0x11100  }
0x2a: {  	s13 =	simm.s32 $0x11500;
	s14 =	simm.s32 $0x11D00;
	s15 =	simm.s32 $0x12100  }
0x2b: {  	s16 =	simm.s32 $0x12900;
	s17 =	simm.s32 $0x12D00;
	s18 =	simm.s32 $0x13500  }
0x2c: {  	s19 =	simm.s32 $0x13900;
	s20 =	simm.s32 $0x14100;
	s21 =	simm.s32 $0x14500  }
0x2d: {  	s23 =	simm.s32 $0x15100;
	s24 =	simm.s32 $0x15900;
	s25 =	simm.s32 $0x15D00  }
0x2e: {  	s26 =	simm.s32 $0x16500;
	s4 =	sadd.s32 s6, s4;
	s6 =	smul.u32 $0x180, s6  }
0x2f: {  	[dreg:$0x1b] =	wrdreg s7;
	s2 =	ssub.s32 s2, s22;
	s4 =	sadd.s32 $0x2C00, s4  }
0x30: {  	s7 =	simm.s32 $0x100;
	[dreg:$0x4] =	wrdreg s4;
	s8 =	sadd.s32 s5, s6  }
0x31: {  	s22 =	simm.s32 $0x14D00;
	s5 =	simm.s32 $0x7900;
	[dreg:$0x5] =	wrdreg s8  }
0x32: {  	v2 =	vlaneseq.u32;
	s6 =	simm.s32 $0x8100;
	s4 =	sadd.s32 $0x100, s1;
	[dreg:$0x19] =	wrdreg s5  }
0x33: {  	vm0 =	vmmov $0xffff;
	vm1 =	vmmov $0xff;
	v1 =	vshrl.u32 v2, $0x3;
	[dreg:$0x1a] =	wrdreg s6;
	s8 =	simm.s32 $0x8D00;
	s5 =	smax.u32 s2, $0x1  }
0x34: {  	v0 =	vand.u32 $0x7, v2;
	v2 =	vor.u32 $0x8, v2;
	v1 =	vmul.u32 $0x8, v1;
	s6 =	simm.s32 $0x2;
	s2 =	simm.s32 $0x1;
	[dreg:$0x1c] =	wrdreg s8  }
.LBB2_1:
0x35: {  	s0 =	rddreg [dreg:$0x4]  }
0x36: {  	[tilespmem:s3], [sflag:$0x2] =	stream.linear.gather [hbm4b:s0+s3], $0x100, $0x38;
	[tilespmem:$0x18100] =	vst v63  }
0x37: {  	_ =	swait.ge [sflag:s6], $0x100  }
0x38: {  	[sflag:s6] =	ssyncset.done $0x0  }
0x39: {  	[sflag:s6] =	ssyncadd.s32 $0xFFFFFF00  }
0x3a: {  	v3 =	vld [tilespmem:$0x0];
	_ =	sdelay $0x4  }
0x3b: {  	v4 =	vshrl.u32 v3, $0x3  }
0x3c: {  	v4 =	vmul.u32 $0x18, v4  }
0x3d: {  	v3 =	vand.u32 $0x7, v3  }
0x3e: {  	v3 =	vor.u32 v3, v4  }
0x3f: {  	v4 =	vperm.xlane v3, v0;
	_ =	sdelay $0x1  }
0x40: {  	v4 =	vadd.s32 v1, v4;
	_ =	sdelay $0x1  }
0x41: {  	v3 =	vperm.xlane v3, v2;
	_ =	sdelay $0x1  }
0x42: {  	v3 =	vadd.s32 v1, v3  }
0x43: {  	[tilespmem:s7], [sflag:$0x1] =	stream.indirect_vreg.gather [hbm4b:s1+s3], $0x80, v4, vm0, $0xb8;
	[tilespmem:$0x18100] =	vst v63  }
0x44: {  	s0 =	rddreg [dreg:$0x6]  }
0x45: {  	[tilespmem:s0], [sflag:$0x1] =	stream.indirect_vreg.gather [hbm4b:s4+s3], $0x80, v4, vm1, $0xb8;
	[tilespmem:$0x18100] =	vst v63  }
0x46: {  	s8 =	rddreg [dreg:$0x7]  }
0x47: {  	[tilespmem:s8], [sflag:$0x1] =	stream.indirect_vreg.gather [hbm4b:s1+s3], $0x80, v3, vm0, $0xb8;
	[tilespmem:$0x18100] =	vst v63  }
0x48: {  	s0 =	rddreg [dreg:$0x8]  }
0x49: {  	[tilespmem:s0], [sflag:$0x1] =	stream.indirect_vreg.gather [hbm4b:s4+s3], $0x80, v3, vm1, $0xb8;
	[tilespmem:$0x18100] =	vst v63  }
0x4a: {  	v3 =	vld [tilespmem:$0x10];
	_ =	sdelay $0x4  }
0x4b: {  	v49 =	vshrl.u32 v3, $0x3  }
0x4c: {  	v4 =	vmul.u32 $0x18, v49  }
0x4d: {  	v3 =	vand.u32 $0x7, v3  }
0x4e: {  	v3 =	vor.u32 v3, v4  }
0x4f: {  	v4 =	vperm.xlane v3, v0;
	_ =	sdelay $0x1  }
0x50: {  	v4 =	vadd.s32 v1, v4;
	_ =	sdelay $0x1  }
0x51: {  	v3 =	vperm.xlane v3, v2;
	_ =	sdelay $0x1  }
0x52: {  	s0 =	rddreg [dreg:$0x9];
	v3 =	vadd.s32 v1, v3  }
0x53: {  	[tilespmem:s0], [sflag:$0x1] =	stream.indirect_vreg.gather [hbm4b:s1+s3], $0x80, v4, vm0, $0xb8;
	[tilespmem:$0x18100] =	vst v63  }
0x54: {  	s8 =	rddreg [dreg:$0xa]  }
0x55: {  	[tilespmem:s8], [sflag:$0x1] =	stream.indirect_vreg.gather [hbm4b:s4+s3], $0x80, v4, vm1, $0xb8;
	[tilespmem:$0x18100] =	vst v63  }
0x56: {  	s0 =	rddreg [dreg:$0xb]  }
0x57: {  	[tilespmem:s0], [sflag:$0x1] =	stream.indirect_vreg.gather [hbm4b:s1+s3], $0x80, v3, vm0, $0xb8;
	[tilespmem:$0x18100] =	vst v63  }
0x58: {  	s8 =	rddreg [dreg:$0xc]  }
0x59: {  	[tilespmem:s8], [sflag:$0x1] =	stream.indirect_vreg.gather [hbm4b:s4+s3], $0x80, v3, vm1, $0xb8;
	[tilespmem:$0x18100] =	vst v63  }
0x5a: {  	v3 =	vld [tilespmem:$0x20];
	_ =	sdelay $0x4  }
0x5b: {  	v50 =	vshrl.u32 v3, $0x3  }
0x5c: {  	v4 =	vmul.u32 $0x18, v50  }
0x5d: {  	v3 =	vand.u32 $0x7, v3  }
0x5e: {  	v3 =	vor.u32 v3, v4  }
0x5f: {  	v4 =	vperm.xlane v3, v0;
	_ =	sdelay $0x1  }
0x60: {  	v4 =	vadd.s32 v1, v4;
	_ =	sdelay $0x1  }
0x61: {  	v3 =	vperm.xlane v3, v2;
	_ =	sdelay $0x1  }
0x62: {  	s0 =	rddreg [dreg:$0xd];
	v3 =	vadd.s32 v1, v3  }
0x63: {  	[tilespmem:s0], [sflag:$0x1] =	stream.indirect_vreg.gather [hbm4b:s1+s3], $0x80, v4, vm0, $0xb8;
	[tilespmem:$0x18100] =	vst v63  }
0x64: {  	s8 =	rddreg [dreg:$0xe]  }
0x65: {  	[tilespmem:s8], [sflag:$0x1] =	stream.indirect_vreg.gather [hbm4b:s4+s3], $0x80, v4, vm1, $0xb8;
	[tilespmem:$0x18100] =	vst v63  }
0x66: {  	s0 =	rddreg [dreg:$0xf]  }
0x67: {  	[tilespmem:s0], [sflag:$0x1] =	stream.indirect_vreg.gather [hbm4b:s1+s3], $0x80, v3, vm0, $0xb8;
	[tilespmem:$0x18100] =	vst v63  }
0x68: {  	s8 =	rddreg [dreg:$0x10]  }
0x69: {  	[tilespmem:s8], [sflag:$0x1] =	stream.indirect_vreg.gather [hbm4b:s4+s3], $0x80, v3, vm1, $0xb8;
	[tilespmem:$0x18100] =	vst v63  }
0x6a: {  	v3 =	vld [tilespmem:$0x30];
	_ =	sdelay $0x4  }
0x6b: {  	v51 =	vshrl.u32 v3, $0x3  }
0x6c: {  	v4 =	vmul.u32 $0x18, v51  }
0x6d: {  	v3 =	vand.u32 $0x7, v3  }
0x6e: {  	v3 =	vor.u32 v3, v4  }
0x6f: {  	v4 =	vperm.xlane v3, v0;
	_ =	sdelay $0x1  }
0x70: {  	v4 =	vadd.s32 v1, v4;
	_ =	sdelay $0x1  }
0x71: {  	v3 =	vperm.xlane v3, v2;
	_ =	sdelay $0x1  }
0x72: {  	s0 =	rddreg [dreg:$0x11];
	v3 =	vadd.s32 v1, v3  }
0x73: {  	[tilespmem:s0], [sflag:$0x1] =	stream.indirect_vreg.gather [hbm4b:s1+s3], $0x80, v4, vm0, $0xb8;
	[tilespmem:$0x18100] =	vst v63  }
0x74: {  	s8 =	rddreg [dreg:$0x12]  }
0x75: {  	[tilespmem:s8], [sflag:$0x1] =	stream.indirect_vreg.gather [hbm4b:s4+s3], $0x80, v4, vm1, $0xb8;
	[tilespmem:$0x18100] =	vst v63  }
0x76: {  	s0 =	rddreg [dreg:$0x13]  }
0x77: {  	[tilespmem:s0], [sflag:$0x1] =	stream.indirect_vreg.gather [hbm4b:s1+s3], $0x80, v3, vm0, $0xb8;
	[tilespmem:$0x18100] =	vst v63  }
0x78: {  	s8 =	rddreg [dreg:$0x14]  }
0x79: {  	[tilespmem:s8], [sflag:$0x1] =	stream.indirect_vreg.gather [hbm4b:s4+s3], $0x80, v3, vm1, $0xb8;
	[tilespmem:$0x18100] =	vst v63  }
0x7a: {  	v3 =	vld [tilespmem:$0x40];
	_ =	sdelay $0x4  }
0x7b: {  	v52 =	vshrl.u32 v3, $0x3  }
0x7c: {  	v4 =	vmul.u32 $0x18, v52  }
0x7d: {  	v3 =	vand.u32 $0x7, v3  }
0x7e: {  	v3 =	vor.u32 v3, v4  }
0x7f: {  	v4 =	vperm.xlane v3, v0;
	_ =	sdelay $0x1  }
0x80: {  	v4 =	vadd.s32 v1, v4;
	_ =	sdelay $0x1  }
0x81: {  	v3 =	vperm.xlane v3, v2;
	_ =	sdelay $0x1  }
0x82: {  	s0 =	rddreg [dreg:$0x15];
	v3 =	vadd.s32 v1, v3  }
0x83: {  	[tilespmem:s0], [sflag:$0x1] =	stream.indirect_vreg.gather [hbm4b:s1+s3], $0x80, v4, vm0, $0xb8;
	[tilespmem:$0x18100] =	vst v63  }
0x84: {  	s8 =	rddreg [dreg:$0x16]  }
0x85: {  	[tilespmem:s8], [sflag:$0x1] =	stream.indirect_vreg.gather [hbm4b:s4+s3], $0x80, v4, vm1, $0xb8;
	[tilespmem:$0x18100] =	vst v63  }
0x86: {  	s0 =	rddreg [dreg:$0x17]  }
0x87: {  	[tilespmem:s0], [sflag:$0x1] =	stream.indirect_vreg.gather [hbm4b:s1+s3], $0x80, v3, vm0, $0xb8;
	[tilespmem:$0x18100] =	vst v63  }
0x88: {  	s8 =	rddreg [dreg:$0x18]  }
0x89: {  	[tilespmem:s8], [sflag:$0x1] =	stream.indirect_vreg.gather [hbm4b:s4+s3], $0x80, v3, vm1, $0xb8;
	[tilespmem:$0x18100] =	vst v63  }
0x8a: {  	v3 =	vld [tilespmem:$0x50];
	_ =	sdelay $0x4  }
0x8b: {  	v53 =	vshrl.u32 v3, $0x3  }
0x8c: {  	v4 =	vmul.u32 $0x18, v53  }
0x8d: {  	v3 =	vand.u32 $0x7, v3  }
0x8e: {  	v3 =	vor.u32 v3, v4  }
0x8f: {  	v4 =	vperm.xlane v3, v0;
	_ =	sdelay $0x1  }
0x90: {  	v4 =	vadd.s32 v1, v4;
	_ =	sdelay $0x1  }
0x91: {  	v3 =	vperm.xlane v3, v2;
	_ =	sdelay $0x1  }
0x92: {  	s0 =	rddreg [dreg:$0x19];
	v3 =	vadd.s32 v1, v3  }
0x93: {  	[tilespmem:s0], [sflag:$0x1] =	stream.indirect_vreg.gather [hbm4b:s1+s3], $0x80, v4, vm0, $0xb8;
	[tilespmem:$0x18100] =	vst v63  }
0x94: {  	s8 =	rddreg [dreg:$0x1a]  }
0x95: {  	[tilespmem:s8], [sflag:$0x1] =	stream.indirect_vreg.gather [hbm4b:s4+s3], $0x80, v4, vm1, $0xb8;
	[tilespmem:$0x18100] =	vst v63  }
0x96: {  	s0 =	rddreg [dreg:$0x1b]  }
0x97: {  	[tilespmem:s0], [sflag:$0x1] =	stream.indirect_vreg.gather [hbm4b:s1+s3], $0x80, v3, vm0, $0xb8;
	[tilespmem:$0x18100] =	vst v63  }
0x98: {  	s8 =	rddreg [dreg:$0x1c]  }
0x99: {  	[tilespmem:s8], [sflag:$0x1] =	stream.indirect_vreg.gather [hbm4b:s4+s3], $0x80, v3, vm1, $0xb8;
	[tilespmem:$0x18100] =	vst v63  }
0x9a: {  	v3 =	vld [tilespmem:$0x60];
	_ =	sdelay $0x4  }
0x9b: {  	v54 =	vshrl.u32 v3, $0x3  }
0x9c: {  	v4 =	vmul.u32 $0x18, v54  }
0x9d: {  	v3 =	vand.u32 $0x7, v3  }
0x9e: {  	v3 =	vor.u32 v3, v4  }
0x9f: {  	v4 =	vperm.xlane v3, v0;
	_ =	sdelay $0x1  }
0xa0: {  	v4 =	vadd.s32 v1, v4;
	_ =	sdelay $0x1  }
0xa1: {  	v3 =	vperm.xlane v3, v2  }
0xa2: {  	s0 =	rddreg [dreg:$0x1d]  }
0xa3: {  	s8 =	rddreg [dreg:$0x1e];
	v3 =	vadd.s32 v1, v3  }
0xa4: {  	[tilespmem:s0], [sflag:$0x1] =	stream.indirect_vreg.gather [hbm4b:s1+s3], $0x80, v4, vm0, $0xb8;
	[tilespmem:$0x18100] =	vst v63  }
0xa5: {  	s0 =	rddreg [dreg:$0x1f]  }
0xa6: {  	[tilespmem:s8], [sflag:$0x1] =	stream.indirect_vreg.gather [hbm4b:s4+s3], $0x80, v4, vm1, $0xb8;
	[tilespmem:$0x18100] =	vst v63  }
0xa7: {  	s8 =	sld [smem:$0x7F0]  }
0xa8: {  	[tilespmem:s0], [sflag:$0x1] =	stream.indirect_vreg.gather [hbm4b:s1+s3], $0x80, v3, vm0, $0xb8;
	[tilespmem:$0x18100] =	vst v63  }
0xa9: {  	_ = 	snop  }
0xaa: {  	[tilespmem:s8], [sflag:$0x1] =	stream.indirect_vreg.gather [hbm4b:s4+s3], $0x80, v3, vm1, $0xb8;
	[tilespmem:$0x18100] =	vst v63  }
0xab: {  	v3 =	vld [tilespmem:$0x70];
	_ =	sdelay $0x4  }
0xac: {  	v55 =	vshrl.u32 v3, $0x3  }
0xad: {  	v4 =	vmul.u32 $0x18, v55  }
0xae: {  	v3 =	vand.u32 $0x7, v3  }
0xaf: {  	v3 =	vor.u32 v3, v4  }
0xb0: {  	v4 =	vperm.xlane v3, v0;
	_ =	sdelay $0x1  }
0xb1: {  	v4 =	vadd.s32 v1, v4;
	_ =	sdelay $0x1  }
0xb2: {  	s0 =	sld [smem:$0x7F1];
	v3 =	vperm.xlane v3, v2;
	_ =	sdelay $0x1  }
0xb3: {  	s8 =	sld [smem:$0x7F2];
	v3 =	vadd.s32 v1, v3  }
0xb4: {  	[tilespmem:s0], [sflag:$0x1] =	stream.indirect_vreg.gather [hbm4b:s1+s3], $0x80, v4, vm0, $0xb8;
	[tilespmem:$0x18100] =	vst v63  }
0xb5: {  	s0 =	sld [smem:$0x7F3]  }
0xb6: {  	[tilespmem:s8], [sflag:$0x1] =	stream.indirect_vreg.gather [hbm4b:s4+s3], $0x80, v4, vm1, $0xb8;
	[tilespmem:$0x18100] =	vst v63  }
0xb7: {  	s8 =	sld [smem:$0x7F4]  }
0xb8: {  	[tilespmem:s0], [sflag:$0x1] =	stream.indirect_vreg.gather [hbm4b:s1+s3], $0x80, v3, vm0, $0xb8;
	[tilespmem:$0x18100] =	vst v63  }
0xb9: {  	_ = 	snop  }
0xba: {  	[tilespmem:s8], [sflag:$0x1] =	stream.indirect_vreg.gather [hbm4b:s4+s3], $0x80, v3, vm1, $0xb8;
	[tilespmem:$0x18100] =	vst v63  }
0xbb: {  	v3 =	vld [tilespmem:$0x80];
	_ =	sdelay $0x4  }
0xbc: {  	v56 =	vshrl.u32 v3, $0x3  }
0xbd: {  	v4 =	vmul.u32 $0x18, v56  }
0xbe: {  	v3 =	vand.u32 $0x7, v3  }
0xbf: {  	v3 =	vor.u32 v3, v4  }
0xc0: {  	v4 =	vperm.xlane v3, v0;
	_ =	sdelay $0x1  }
0xc1: {  	v4 =	vadd.s32 v1, v4;
	_ =	sdelay $0x1  }
0xc2: {  	s0 =	sld [smem:$0x7F5];
	v3 =	vperm.xlane v3, v2;
	_ =	sdelay $0x1  }
0xc3: {  	s8 =	sld [smem:$0x7F6];
	v3 =	vadd.s32 v1, v3  }
0xc4: {  	[tilespmem:s0], [sflag:$0x1] =	stream.indirect_vreg.gather [hbm4b:s1+s3], $0x80, v4, vm0, $0xb8;
	[tilespmem:$0x18100] =	vst v63  }
0xc5: {  	s0 =	sld [smem:$0x7F7]  }
0xc6: {  	[tilespmem:s8], [sflag:$0x1] =	stream.indirect_vreg.gather [hbm4b:s4+s3], $0x80, v4, vm1, $0xb8;
	[tilespmem:$0x18100] =	vst v63  }
0xc7: {  	s8 =	sld [smem:$0x7F8]  }
0xc8: {  	[tilespmem:s0], [sflag:$0x1] =	stream.indirect_vreg.gather [hbm4b:s1+s3], $0x80, v3, vm0, $0xb8;
	[tilespmem:$0x18100] =	vst v63  }
0xc9: {  	_ = 	snop  }
0xca: {  	[tilespmem:s8], [sflag:$0x1] =	stream.indirect_vreg.gather [hbm4b:s4+s3], $0x80, v3, vm1, $0xb8;
	[tilespmem:$0x18100] =	vst v63  }
0xcb: {  	v3 =	vld [tilespmem:$0x90];
	_ =	sdelay $0x4  }
0xcc: {  	v57 =	vshrl.u32 v3, $0x3  }
0xcd: {  	v4 =	vmul.u32 $0x18, v57  }
0xce: {  	v3 =	vand.u32 $0x7, v3  }
0xcf: {  	v3 =	vor.u32 v3, v4  }
0xd0: {  	v4 =	vperm.xlane v3, v0;
	_ =	sdelay $0x1  }
0xd1: {  	v4 =	vadd.s32 v1, v4;
	_ =	sdelay $0x1  }
0xd2: {  	s0 =	sld [smem:$0x7F9];
	v3 =	vperm.xlane v3, v2;
	_ =	sdelay $0x1  }
0xd3: {  	s8 =	sld [smem:$0x7FA];
	v3 =	vadd.s32 v1, v3  }
0xd4: {  	[tilespmem:s0], [sflag:$0x1] =	stream.indirect_vreg.gather [hbm4b:s1+s3], $0x80, v4, vm0, $0xb8;
	[tilespmem:$0x18100] =	vst v63  }
0xd5: {  	s0 =	sld [smem:$0x7FB]  }
0xd6: {  	[tilespmem:s8], [sflag:$0x1] =	stream.indirect_vreg.gather [hbm4b:s4+s3], $0x80, v4, vm1, $0xb8;
	[tilespmem:$0x18100] =	vst v63  }
0xd7: {  	s8 =	sld [smem:$0x7FC]  }
0xd8: {  	[tilespmem:s0], [sflag:$0x1] =	stream.indirect_vreg.gather [hbm4b:s1+s3], $0x80, v3, vm0, $0xb8;
	[tilespmem:$0x18100] =	vst v63  }
0xd9: {  	_ = 	snop  }
0xda: {  	[tilespmem:s8], [sflag:$0x1] =	stream.indirect_vreg.gather [hbm4b:s4+s3], $0x80, v3, vm1, $0xb8;
	[tilespmem:$0x18100] =	vst v63  }
0xdb: {  	v3 =	vld [tilespmem:$0xA0];
	_ =	sdelay $0x4  }
0xdc: {  	v58 =	vshrl.u32 v3, $0x3  }
0xdd: {  	v4 =	vmul.u32 $0x18, v58  }
0xde: {  	v3 =	vand.u32 $0x7, v3  }
0xdf: {  	v3 =	vor.u32 v3, v4  }
0xe0: {  	v4 =	vperm.xlane v3, v0;
	_ =	sdelay $0x1  }
0xe1: {  	v4 =	vadd.s32 v1, v4;
	_ =	sdelay $0x1  }
0xe2: {  	s8 =	sld [smem:$0x7FD];
	v3 =	vperm.xlane v3, v2;
	_ =	sdelay $0x1  }
0xe3: {  	v3 =	vadd.s32 v1, v3  }
0xe4: {  	[tilespmem:s8], [sflag:$0x1] =	stream.indirect_vreg.gather [hbm4b:s1+s3], $0x80, v4, vm0, $0xb8;
	[tilespmem:$0x18100] =	vst v63  }
0xe5: {  	s8 =	simm.s32 $0xF900  }
0xe6: {  	[tilespmem:s8], [sflag:$0x1] =	stream.indirect_vreg.gather [hbm4b:s4+s3], $0x80, v4, vm1, $0xb8;
	[tilespmem:$0x18100] =	vst v63  }
0xe7: {  	_ = 	snop  }
0xe8: {  	[tilespmem:s9], [sflag:$0x1] =	stream.indirect_vreg.gather [hbm4b:s1+s3], $0x80, v3, vm0, $0xb8;
	[tilespmem:$0x18100] =	vst v63  }
0xe9: {  	_ = 	snop  }
0xea: {  	[tilespmem:s10], [sflag:$0x1] =	stream.indirect_vreg.gather [hbm4b:s4+s3], $0x80, v3, vm1, $0xb8;
	[tilespmem:$0x18100] =	vst v63  }
0xeb: {  	v3 =	vld [tilespmem:$0xB0];
	_ =	sdelay $0x4  }
0xec: {  	v59 =	vshrl.u32 v3, $0x3  }
0xed: {  	v4 =	vmul.u32 $0x18, v59  }
0xee: {  	v3 =	vand.u32 $0x7, v3  }
0xef: {  	v3 =	vor.u32 v3, v4  }
0xf0: {  	v4 =	vperm.xlane v3, v0;
	_ =	sdelay $0x1  }
0xf1: {  	v4 =	vadd.s32 v1, v4;
	_ =	sdelay $0x1  }
0xf2: {  	v3 =	vperm.xlane v3, v2;
	_ =	sdelay $0x1  }
0xf3: {  	v3 =	vadd.s32 v1, v3  }
0xf4: {  	[tilespmem:s11], [sflag:$0x1] =	stream.indirect_vreg.gather [hbm4b:s1+s3], $0x80, v4, vm0, $0xb8;
	[tilespmem:$0x18100] =	vst v63  }
0xf5: {  	_ = 	snop  }
0xf6: {  	[tilespmem:s12], [sflag:$0x1] =	stream.indirect_vreg.gather [hbm4b:s4+s3], $0x80, v4, vm1, $0xb8;
	[tilespmem:$0x18100] =	vst v63  }
0xf7: {  	_ = 	snop  }
0xf8: {  	[tilespmem:s13], [sflag:$0x1] =	stream.indirect_vreg.gather [hbm4b:s1+s3], $0x80, v3, vm0, $0xb8;
	[tilespmem:$0x18100] =	vst v63  }
0xf9: {  	_ = 	snop  }
0xfa: {  	[tilespmem:s14], [sflag:$0x1] =	stream.indirect_vreg.gather [hbm4b:s4+s3], $0x80, v3, vm1, $0xb8;
	[tilespmem:$0x18100] =	vst v63  }
0xfb: {  	v3 =	vld [tilespmem:$0xC0];
	_ =	sdelay $0x4  }
0xfc: {  	v60 =	vshrl.u32 v3, $0x3  }
0xfd: {  	v4 =	vmul.u32 $0x18, v60  }
0xfe: {  	v3 =	vand.u32 $0x7, v3  }
0xff: {  	v3 =	vor.u32 v3, v4  }
0x100: {  	v4 =	vperm.xlane v3, v0;
	_ =	sdelay $0x1  }
0x101: {  	v4 =	vadd.s32 v1, v4;
	_ =	sdelay $0x1  }
0x102: {  	v3 =	vperm.xlane v3, v2;
	_ =	sdelay $0x1  }
0x103: {  	v3 =	vadd.s32 v1, v3  }
0x104: {  	[tilespmem:s15], [sflag:$0x1] =	stream.indirect_vreg.gather [hbm4b:s1+s3], $0x80, v4, vm0, $0xb8;
	[tilespmem:$0x18100] =	vst v63  }
0x105: {  	_ = 	snop  }
0x106: {  	[tilespmem:s16], [sflag:$0x1] =	stream.indirect_vreg.gather [hbm4b:s4+s3], $0x80, v4, vm1, $0xb8;
	[tilespmem:$0x18100] =	vst v63  }
0x107: {  	_ = 	snop  }
0x108: {  	[tilespmem:s17], [sflag:$0x1] =	stream.indirect_vreg.gather [hbm4b:s1+s3], $0x80, v3, vm0, $0xb8;
	[tilespmem:$0x18100] =	vst v63  }
0x109: {  	_ = 	snop  }
0x10a: {  	[tilespmem:s18], [sflag:$0x1] =	stream.indirect_vreg.gather [hbm4b:s4+s3], $0x80, v3, vm1, $0xb8;
	[tilespmem:$0x18100] =	vst v63  }
0x10b: {  	v3 =	vld [tilespmem:$0xD0];
	_ =	sdelay $0x4  }
0x10c: {  	v61 =	vshrl.u32 v3, $0x3  }
0x10d: {  	v4 =	vmul.u32 $0x18, v61  }
0x10e: {  	v3 =	vand.u32 $0x7, v3  }
0x10f: {  	v3 =	vor.u32 v3, v4  }
0x110: {  	v4 =	vperm.xlane v3, v0;
	_ =	sdelay $0x1  }
0x111: {  	v4 =	vadd.s32 v1, v4;
	_ =	sdelay $0x1  }
0x112: {  	v3 =	vperm.xlane v3, v2;
	_ =	sdelay $0x1  }
0x113: {  	v3 =	vadd.s32 v1, v3  }
0x114: {  	[tilespmem:s19], [sflag:$0x1] =	stream.indirect_vreg.gather [hbm4b:s1+s3], $0x80, v4, vm0, $0xb8;
	[tilespmem:$0x18100] =	vst v63  }
0x115: {  	_ = 	snop  }
0x116: {  	[tilespmem:s20], [sflag:$0x1] =	stream.indirect_vreg.gather [hbm4b:s4+s3], $0x80, v4, vm1, $0xb8;
	[tilespmem:$0x18100] =	vst v63  }
0x117: {  	_ = 	snop  }
0x118: {  	[tilespmem:s21], [sflag:$0x1] =	stream.indirect_vreg.gather [hbm4b:s1+s3], $0x80, v3, vm0, $0xb8;
	[tilespmem:$0x18100] =	vst v63  }
0x119: {  	_ = 	snop  }
0x11a: {  	[tilespmem:s22], [sflag:$0x1] =	stream.indirect_vreg.gather [hbm4b:s4+s3], $0x80, v3, vm1, $0xb8;
	[tilespmem:$0x18100] =	vst v63  }
0x11b: {  	v3 =	vld [tilespmem:$0xE0];
	_ =	sdelay $0x4  }
0x11c: {  	v62 =	vshrl.u32 v3, $0x3  }
0x11d: {  	v4 =	vmul.u32 $0x18, v62  }
0x11e: {  	v3 =	vand.u32 $0x7, v3  }
0x11f: {  	v3 =	vor.u32 v3, v4  }
0x120: {  	v4 =	vperm.xlane v3, v0;
	_ =	sdelay $0x1  }
0x121: {  	v4 =	vadd.s32 v1, v4;
	_ =	sdelay $0x1  }
0x122: {  	v3 =	vperm.xlane v3, v2;
	_ =	sdelay $0x1  }
0x123: {  	v3 =	vadd.s32 v1, v3  }
0x124: {  	[tilespmem:s23], [sflag:$0x1] =	stream.indirect_vreg.gather [hbm4b:s1+s3], $0x80, v4, vm0, $0xb8;
	[tilespmem:$0x18100] =	vst v63  }
0x125: {  	_ = 	snop  }
0x126: {  	[tilespmem:s24], [sflag:$0x1] =	stream.indirect_vreg.gather [hbm4b:s4+s3], $0x80, v4, vm1, $0xb8;
	[tilespmem:$0x18100] =	vst v63  }
0x127: {  	_ = 	snop  }
0x128: {  	[tilespmem:s25], [sflag:$0x1] =	stream.indirect_vreg.gather [hbm4b:s1+s3], $0x80, v3, vm0, $0xb8;
	[tilespmem:$0x18100] =	vst v63  }
0x129: {  	_ = 	snop  }
0x12a: {  	[tilespmem:s26], [sflag:$0x1] =	stream.indirect_vreg.gather [hbm4b:s4+s3], $0x80, v3, vm1, $0xb8;
	[tilespmem:$0x18100] =	vst v63  }
0x12b: {  	v3 =	vld [tilespmem:$0xF0];
	_ =	sdelay $0x4  }
0x12c: {  	v63 =	vshrl.u32 v3, $0x3  }
0x12d: {  	v4 =	vmul.u32 $0x18, v63  }
0x12e: {  	v3 =	vand.u32 $0x7, v3  }
0x12f: {  	v3 =	vor.u32 v3, v4  }
0x130: {  	v4 =	vperm.xlane v3, v0;
	_ =	sdelay $0x1  }
0x131: {  	v4 =	vadd.s32 v1, v4;
	_ =	sdelay $0x1  }
0x132: {  	v3 =	vperm.xlane v3, v2;
	_ =	sdelay $0x1  }
0x133: {  	v3 =	vadd.s32 v1, v3  }
0x134: {  	[tilespmem:s28], [sflag:$0x1] =	stream.indirect_vreg.gather [hbm4b:s1+s3], $0x80, v4, vm0, $0xb8;
	[tilespmem:$0x18100] =	vst v63  }
0x135: {  	_ = 	snop  }
0x136: {  	[tilespmem:s29], [sflag:$0x1] =	stream.indirect_vreg.gather [hbm4b:s4+s3], $0x80, v4, vm1, $0xb8;
	[tilespmem:$0x18100] =	vst v63  }
0x137: {  	_ = 	snop  }
0x138: {  	[tilespmem:s30], [sflag:$0x1] =	stream.indirect_vreg.gather [hbm4b:s1+s3], $0x80, v3, vm0, $0xb8;
	[tilespmem:$0x18100] =	vst v63  }
0x139: {  	_ = 	snop  }
0x13a: {  	[tilespmem:s31], [sflag:$0x1] =	stream.indirect_vreg.gather [hbm4b:s4+s3], $0x80, v3, vm1, $0xb8;
	[tilespmem:$0x18100] =	vst v63  }
0x13b: {  	_ =	swait.ge [sflag:s2], $0x18000  }
0x13c: {  	p0 =	sne.s32 s5, $0x1;
	[sflag:s2] =	ssyncset.done $0x0  }
.Ltmp0:
0x13d: {  	s8 =	rddreg [dreg:$0x5];
	[sflag:s2] =	ssyncadd.s32 $0xFFFE8000;
	(pc) =	sbr.rel @p0 .LBB2_1-.Ltmp0, $4  }
0x13e: {  	[hbm4b:s8+s3] =	stream.linear.scatter [tilespmem:s7], [sflag:$0x2], $0x18000, $0x38;
	[tilespmem:$0x18100] =	vst v63  }
0x13f: {  	_ =	swait.ge [sflag:s6], $0x18000  }
0x140: {  	[sflag:s6] =	ssyncset.done $0x0  }
0x141: {  	s5 =	sadd.s32 $0xFFFFFFFF, s5;
	[sflag:s6] =	ssyncadd.s32 $0xFFFE8000  }
0x142: {  	_ =	sfence.sel $0x180000  }
0x143: {  	[bflag:$0x0] =	sbarrier.arrive $0xFFFF  }
0x144: {  	_ =	strace $0x9000004D  }
0x145: {  	s0 =	stileid.u32;
	[bflag:$0x2] =	sbarrier.arrive $0xFFFF  }
0x146: {  	p0 =	sne.s32 s0, $0x0;
	s0 =	rddreg [dreg:$0x3]  }
0x147: {  	s0 =	sadd.s32 @!p0 $0x100000, s0  }
0x148: {  	[sflag:s0] =	ssyncadd.tile.s32 @!p0 $0x1;
	_ =	shalt  }
.Lfunc_end2:
_tile_overlayer_lowered:
.L_overlay_start_2:
0x149: {  	(tag) =	ssettag $0x2  }
0x14a: {  	s0 =	rddreg [dreg:$0x0];
	s2 =	stileid.u32  }
0x14b: {  	s1 =	rddreg [dreg:$0x1];
	p0 =	sne.s32 s2, $0x0  }
0x14c: {  	s3 =	rddreg [dreg:$0x2];
	[bflag:$0x3] =	sbarrier.arrive $0xFFFF;
	s2 =	simm.s32 @!p0 $0x1C02  }
0x14d: {  	[timem:s3], [sflag:s2] =	dma.local @!p0 [hbm:s0], s1  }
0x14e: {  	s0 =	simm.s32 @!p0 $0x2  }
0x14f: {  	_ =	swait.ge @!p0 [sflag:s0], s1  }
0x150: {  	s1 =	ssub.s32 @!p0 $0x0, s1;
	[sflag:s0] =	ssyncset.done @!p0 $0x0  }
0x151: {  	[sflag:s0] =	ssyncadd.s32 @!p0 s1  }
0x152: {  	[bflag:$0x3] =	sbarrier.arrive $0xFFFF  }
0x153: {  	_ =	shalt  }

</sc_bundles>
